<compile_context>
chip_gen: v7x
topology: tpu7x:2x2x1
jax: 0.10.2.dev20260603
libtpu: 0.0.44.dev20260713+nightly
codegen_flags: <defaults>
</compile_context>

<pallas_src>
import jax
import jax.numpy as jnp
import numpy as np
from jax import lax
from jax.experimental import pallas as pl
from jax.experimental.pallas import tpu as pltpu
from jax.experimental.pallas import tpu_sc as plsc

N = 10000
E = 320000
D_IN = 192
C_OUT = 2

NC = 2
NS = 16
L = 16
NW = NC * NS

U = 5
EPW = E // NW
NSL = ((N + NW - 1) // NW + L - 1) // L * L
NP2 = 10240
CHK = NP2 // NS
ZIT = NP2 // L


def _prologue_body(xt_ref, wt_ref, ei_ref, as_ref, ad_ref,
                   asv_ref, adv_ref, h0_ref, h1_ref, sh_ref,
                   src_ref, dst_ref):
    ht = lax.dot_general(wt_ref[...], xt_ref[...],
                         dimension_numbers=(((1,), (0,)), ((), ())),
                         preferred_element_type=jnp.float32)
    asv = ht[0:1] * as_ref[0, 0] + ht[1:2] * as_ref[0, 1]
    adv = ht[0:1] * ad_ref[0, 0] + ht[1:2] * ad_ref[0, 1]
    asv_ref[...] = asv[0]
    adv_ref[...] = adv[0]
    h0_ref[...] = ht[0]
    h1_ref[...] = ht[1]
    m = jnp.max(asv) + jnp.max(adv)
    sh = jnp.where(m >= 0.0, m, 0.2 * m)
    sh_ref[...] = jnp.full((L,), sh, jnp.float32)
    src_ref[...] = ei_ref[0]
    dst_ref[...] = ei_ref[1]


def _sc_body(as_hbm, ad_hbm, h0_hbm, h1_hbm, sh_hbm, src_hbm, dst_hbm, i3_hbm,
             z3_hbm, parts_hbm,
             tbl_v, sh_v, src_v, dst_v,
             acc_v, i3_v, sh3, tbl_sh, sem):
    cid = lax.axis_index("c")
    sid = lax.axis_index("s")
    wid = sid * NC + cid
    base = pl.multiple_of(wid * EPW, 8)
    with jax.named_scope("sc_stage"):
        copies = [
            pltpu.async_copy(sh_hbm, sh_v, sem),
            pltpu.async_copy(i3_hbm, i3_v, sem),
            pltpu.async_copy(src_hbm.at[pl.ds(base, EPW)], src_v, sem),
            pltpu.async_copy(dst_hbm.at[pl.ds(base, EPW)], dst_v, sem),
        ]

        @pl.when(sid == 0)
        def _():
            pltpu.sync_copy(z3_hbm, sh3)
        @pl.when(sid == 1)
        def _():
            pltpu.sync_copy(as_hbm, tbl_sh.at[0])
        @pl.when(sid == 2)
        def _():
            pltpu.sync_copy(ad_hbm, tbl_sh.at[1])
        @pl.when(sid == 3)
        def _():
            pltpu.sync_copy(h0_hbm, tbl_sh.at[2])
        @pl.when(sid == 4)
        def _():
            pltpu.sync_copy(h1_hbm, tbl_sh.at[3])

        plsc.subcore_barrier()
        pull = pltpu.async_copy(tbl_sh, tbl_v, sem)

        z = jnp.zeros((L,), jnp.float32)

        @plsc.parallel_loop(0, ZIT, 1, unroll=4)
        def _zero(i):
            off = pl.multiple_of(i * L, 8)
            acc_v[0, pl.ds(off, L)] = z
            acc_v[1, pl.ds(off, L)] = z
            acc_v[2, pl.ds(off, L)] = z

        pull.wait()
        for c in copies:
            c.wait()

    shift = sh_v[...]
    r0 = jnp.zeros((L,), jnp.int32)
    r1 = r0 + 1
    r2 = r0 + 2
    r3 = r0 + 3

    with jax.named_scope("sc_edges"):
        @plsc.parallel_loop(0, EPW // L, 1, unroll=U)
        def _edges(i):
            off = pl.multiple_of(i * L, 8)
            s = src_v[pl.ds(off, L)]
            d = dst_v[pl.ds(off, L)]
            av = (plsc.load_gather(tbl_v, [r0, s])
                  + plsc.load_gather(tbl_v, [r1, d]))
            av = jnp.maximum(av, 0.2 * av) - shift
            ex = jnp.exp(av)
            h0 = plsc.load_gather(tbl_v, [r2, s])
            h1 = plsc.load_gather(tbl_v, [r3, s])
            plsc.addupdate_scatter(acc_v, [r0, d], ex)
            plsc.addupdate_scatter(acc_v, [r1, d], ex * h0)
            plsc.addupdate_scatter(acc_v, [r2, d], ex * h1)

    with jax.named_scope("sc_selfloop"):
        nbase = pl.multiple_of(wid * NSL, 8)
        nits = (jnp.minimum(NSL, N - nbase) + L - 1) // L

        def loop_step(j, carry):
            sl = pl.ds(nbase + j * L, L)
            av = tbl_v[0, sl] + tbl_v[1, sl]
            av = jnp.maximum(av, 0.2 * av) - shift
            ex = jnp.exp(av)
            plsc.addupdate(acc_v.at[0, sl], ex)
            plsc.addupdate(acc_v.at[1, sl], ex * tbl_v[2, sl])
            plsc.addupdate(acc_v.at[2, sl], ex * tbl_v[3, sl])
            return carry

        lax.fori_loop(0, nits, loop_step, 0)

    with jax.named_scope("sc_combine"):
        plsc.subcore_barrier()
        pltpu.sync_copy(acc_v, sh3.at[i3_v], add=True)
        plsc.subcore_barrier()
    with jax.named_scope("sc_writeback"):
        nb = pl.multiple_of(sid * CHK, 8)
        pltpu.sync_copy(sh3.at[:, pl.ds(nb, CHK)],
                        parts_hbm.at[cid, :, pl.ds(nb, CHK)])


def _epilogue_body(p_hbm, b_ref, out_ref, p_ref):
    pltpu.sync_copy(p_hbm, p_ref)
    p = p_ref[...]
    q = p[:3 * NP2] + p[3 * NP2:]
    den = q[:N]
    n0 = q[NP2:NP2 + N]
    n1 = q[2 * NP2:2 * NP2 + N]
    inv = 1.0 / (den + 1e-16)
    out_ref[...] = jnp.concatenate(
        [(n0 * inv + b_ref[0, 0])[None], (n1 * inv + b_ref[0, 1])[None]],
        axis=0)


@jax.jit
def kernel(x, edge_index, edge_attr, W, att_src, att_dst, bias):
    del edge_attr
    f32 = jnp.float32

    prologue = pl.pallas_call(
        _prologue_body,
        in_specs=[
            pl.BlockSpec((D_IN, N), lambda: (0, 0)),
            pl.BlockSpec((C_OUT, D_IN), lambda: (0, 0)),
            pl.BlockSpec((2, E), lambda: (0, 0)),
            pl.BlockSpec(memory_space=pltpu.SMEM),
            pl.BlockSpec(memory_space=pltpu.SMEM),
        ],
        out_shape=[
            jax.ShapeDtypeStruct((N,), f32),
            jax.ShapeDtypeStruct((N,), f32),
            jax.ShapeDtypeStruct((N,), f32),
            jax.ShapeDtypeStruct((N,), f32),
            jax.ShapeDtypeStruct((L,), f32),
            jax.ShapeDtypeStruct((E,), jnp.int32),
            jax.ShapeDtypeStruct((E,), jnp.int32),
        ],
    )
    asv, adv, h0, h1, sh, src_lin, dst_lin = prologue(
        x.T, W.T, edge_index,
        att_src.reshape(1, C_OUT), att_dst.reshape(1, C_OUT))

    i3 = jnp.asarray(np.arange(3, dtype=np.int32))
    z3 = jnp.asarray(np.zeros((3, NP2), dtype=np.float32))

    mesh = plsc.VectorSubcoreMesh(
        core_axis_name="c", subcore_axis_name="s", num_cores=NC, num_subcores=NS)
    sc = pl.kernel(
        _sc_body,
        out_type=jax.ShapeDtypeStruct((NC, 3, NP2), f32),
        mesh=mesh,
        compiler_params=pltpu.CompilerParams(
            needs_layout_passes=False, use_tc_tiling_on_sc=False),
        scratch_types=[
            pltpu.VMEM((4, N), f32),
            pltpu.VMEM((L,), f32),
            pltpu.VMEM((EPW,), jnp.int32),
            pltpu.VMEM((EPW,), jnp.int32),
            pltpu.VMEM((3, NP2), f32),
            pltpu.VMEM((3,), jnp.int32),
            pltpu.VMEM_SHARED((3, NP2), f32),
            pltpu.VMEM_SHARED((4, N), f32),
            pltpu.SemaphoreType.DMA,
        ],
    )
    parts = sc(asv, adv, h0, h1, sh, src_lin, dst_lin, i3, z3)

    epilogue = pl.pallas_call(
        _epilogue_body,
        in_specs=[
            pl.BlockSpec(memory_space=pl.ANY),
            pl.BlockSpec(memory_space=pltpu.SMEM),
        ],
        scratch_shapes=[pltpu.VMEM((NC * 3 * NP2,), f32)],
        out_shape=jax.ShapeDtypeStruct((2, N), f32),
    )
    out2 = epilogue(parts.reshape(NC * 3 * NP2), bias.reshape(1, C_OUT))
    return out2.T

# --- scband reference (transcript-rebuilt; emitter-appended) ---
"""Pipeline reference for scband-gat-9070970929361 (READ-ONLY COPY).

The authoritative reference and input builder live on the scoring server;
editing this copy changes nothing except your own understanding.
"""

import jax, jax.numpy as jnp
import numpy as np

N = 10000
E = 320000
D_IN = 192
HEADS = 1
C_OUT = 2

def setup_inputs(seed: int = 0):
    key = jax.random.key(seed)
    k1, k2, k3, k4, k5, k6 = jax.random.split(key, 6)
    x = jax.random.normal(k1, (N, D_IN), dtype=jnp.float32)
    edge_index = jax.random.randint(k2, (2, E), 0, N, dtype=jnp.int32)
    edge_attr = jax.random.normal(k3, (E, 1), dtype=jnp.float32)
    # GATConv(192, 2, heads=1, edge_dim=1) parameters (edge_attr is NOT used:
    # forward calls conv1(x, edge_index) without edge_attr, so lin_edge path is skipped)
    W = jax.random.normal(k4, (D_IN, HEADS * C_OUT), dtype=jnp.float32) * 0.1
    att_src = jax.random.normal(k5, (1, HEADS, C_OUT), dtype=jnp.float32) * 0.1
    att_dst = jax.random.normal(k6, (1, HEADS, C_OUT), dtype=jnp.float32) * 0.1
    bias = jnp.zeros((HEADS * C_OUT,), dtype=jnp.float32)
    return {"x": x, "edge_index": edge_index, "edge_attr": edge_attr,
            "W": W, "att_src": att_src, "att_dst": att_dst, "bias": bias}

def reference(x, edge_index, edge_attr, W, att_src, att_dst, bias):
    # Faithful PyG GATConv forward (heads=1, concat=True, add_self_loops=True,
    # negative_slope=0.2, dropout inactive in eval). edge_attr unused in this call.
    n = x.shape[0]
    src = edge_index[0]
    dst = edge_index[1]
    loop = jnp.arange(n, dtype=src.dtype)
    src = jnp.concatenate([src, loop])
    dst = jnp.concatenate([dst, loop])
    h = (x @ W).reshape(n, HEADS, C_OUT)            # [N, H, C]
    a_src = (h * att_src).sum(-1)                    # [N, H]
    a_dst = (h * att_dst).sum(-1)                    # [N, H]
    alpha = a_src[src] + a_dst[dst]                  # [E', H] gather
    alpha = jax.nn.leaky_relu(alpha, negative_slope=0.2)
    amax = jax.ops.segment_max(alpha, dst, num_segments=n)
    amax = jnp.where(jnp.isfinite(amax), amax, 0.0)
    ex = jnp.exp(alpha - amax[dst])
    denom = jax.ops.segment_sum(ex, dst, num_segments=n)
    alpha = ex / (denom[dst] + 1e-16)                # softmax over incoming edges
    msg = h[src] * alpha[..., None]                  # [E', H, C]
    out = jax.ops.segment_sum(msg, dst, num_segments=n)  # scatter-add
    out = out.reshape(n, HEADS * C_OUT) + bias
    return out

if __name__ == "__main__":
    import jax
    _d = setup_inputs()
    print(jax.jit(kernel)(*tuple(_d.values())))

</pallas_src>

<mosaic_0001>
#map = affine_map<(d0, d1) -> (0)>
#map1 = affine_map<(d0, d1) -> (0, 0)>
#map2 = affine_map<(d0, d1) -> (0, 0, 0)>
module attributes {stable_mosaic.version = 14 : i64} {
  func.func @_sc_body(%arg0: i32, %arg1: i32, %arg2: memref<10000xf32, #tpu.memory_space<hbm>>, %arg3: memref<10000xf32, #tpu.memory_space<hbm>>, %arg4: memref<10000xf32, #tpu.memory_space<hbm>>, %arg5: memref<10000xf32, #tpu.memory_space<hbm>>, %arg6: memref<16xf32, #tpu.memory_space<hbm>>, %arg7: memref<320000xi32, #tpu.memory_space<hbm>>, %arg8: memref<320000xi32, #tpu.memory_space<hbm>>, %arg9: memref<3xi32, #tpu.memory_space<hbm>>, %arg10: memref<3x10240xf32, #tpu.memory_space<hbm>>, %arg11: memref<2x3x10240xf32, #tpu.memory_space<hbm>>, %arg12: memref<4x10000xf32, #tpu.memory_space<vmem>>, %arg13: memref<16xf32, #tpu.memory_space<vmem>>, %arg14: memref<10000xi32, #tpu.memory_space<vmem>>, %arg15: memref<10000xi32, #tpu.memory_space<vmem>>, %arg16: memref<3x10240xf32, #tpu.memory_space<vmem>>, %arg17: memref<3xi32, #tpu.memory_space<vmem>>, %arg18: memref<3x10240xf32, #tpu.memory_space<vmem_shared>>, %arg19: memref<4x10000xf32, #tpu.memory_space<vmem_shared>>, %arg20: memref<!tpu.dma_semaphore, #tpu.memory_space<semaphore_mem>>) attributes {dimension_semantics = [#tpu.dimension_semantics<core_parallel>, #tpu.dimension_semantics<subcore_parallel>], iteration_bounds = array<i64: 2, 16>, scalar_prefetch = 0 : i64, scratch_operands = 9 : i64, tpu.core_type = #tpu.core_type<sc_vector_subcore>, window_params = [{transform_indices = #map}, {transform_indices = #map}, {transform_indices = #map}, {transform_indices = #map}, {transform_indices = #map}, {transform_indices = #map}, {transform_indices = #map}, {transform_indices = #map}, {transform_indices = #map1}, {transform_indices = #map2}]} {
    %mul3A = arith.constant 2 : i32
    %mul3A_0 = arith.muli %arg1, %mul3A : i32
    %add3A = arith.addi %mul3A_0, %arg0 : i32
    %mul3A_1 = arith.constant 10000 : i32
    %mul3A_2 = arith.muli %add3A, %mul3A_1 : i32
    %multiple_of3A = tpu.assume_multiple %mul3A_2, 8 : i32
    "tpu.trace_start"() <{level = 10 : i32, message = "sc_stage"}> : () -> ()
    tpu.enqueue_dma source(%arg6 : memref<16xf32, #tpu.memory_space<hbm>>) target(%arg13 : memref<16xf32, #tpu.memory_space<vmem>>) target_semaphore(%arg20 : memref<!tpu.dma_semaphore, #tpu.memory_space<semaphore_mem>>)
    tpu.enqueue_dma source(%arg9 : memref<3xi32, #tpu.memory_space<hbm>>) target(%arg17 : memref<3xi32, #tpu.memory_space<vmem>>) target_semaphore(%arg20 : memref<!tpu.dma_semaphore, #tpu.memory_space<semaphore_mem>>)
    %dma_start3A = tpu.memref_slice %arg7[%multiple_of3A] : memref<320000xi32, #tpu.memory_space<hbm>> -> memref<10000xi32, #tpu.memory_space<hbm>>
    %dma_start3A_3 = tpu.memref_slice %arg7[%multiple_of3A] : memref<320000xi32, #tpu.memory_space<hbm>> -> memref<10000xi32, #tpu.memory_space<hbm>>
    tpu.enqueue_dma source(%dma_start3A_3 : memref<10000xi32, #tpu.memory_space<hbm>>) target(%arg14 : memref<10000xi32, #tpu.memory_space<vmem>>) target_semaphore(%arg20 : memref<!tpu.dma_semaphore, #tpu.memory_space<semaphore_mem>>)
    %dma_start3A_4 = tpu.memref_slice %arg8[%multiple_of3A] : memref<320000xi32, #tpu.memory_space<hbm>> -> memref<10000xi32, #tpu.memory_space<hbm>>
    %dma_start3A_5 = tpu.memref_slice %arg8[%multiple_of3A] : memref<320000xi32, #tpu.memory_space<hbm>> -> memref<10000xi32, #tpu.memory_space<hbm>>
    tpu.enqueue_dma source(%dma_start3A_5 : memref<10000xi32, #tpu.memory_space<hbm>>) target(%arg15 : memref<10000xi32, #tpu.memory_space<vmem>>) target_semaphore(%arg20 : memref<!tpu.dma_semaphore, #tpu.memory_space<semaphore_mem>>)
    %eq3A = arith.constant 0 : i32
    %eq3A_6 = arith.cmpi eq, %arg1, %eq3A : i32
    %convert_element_type3A = arith.extui %eq3A_6 : i1 to i32
    %cond3A = arith.constant 0 : i32
    %cond3A_7 = arith.cmpi ne, %convert_element_type3A, %cond3A : i32
    scf.if %cond3A_7 {
      "tpu.region"() ({
        %run_scoped3A = tpu.sem_alloc : memref<!tpu.dma_semaphore, #tpu.memory_space<semaphore_mem>>
        tpu.enqueue_dma source(%arg10 : memref<3x10240xf32, #tpu.memory_space<hbm>>) target(%arg18 : memref<3x10240xf32, #tpu.memory_space<vmem_shared>>) target_semaphore(%run_scoped3A : memref<!tpu.dma_semaphore, #tpu.memory_space<semaphore_mem>>)
        tpu.wait_dma2 semaphore(%run_scoped3A : memref<!tpu.dma_semaphore, #tpu.memory_space<semaphore_mem>>) src(%arg10 : memref<3x10240xf32, #tpu.memory_space<hbm>>) dst(%arg18 : memref<3x10240xf32, #tpu.memory_space<vmem_shared>>)
        tpu.yield
      }) : () -> ()
    } else {
    }
    %eq3A_8 = arith.constant 1 : i32
    %eq3A_9 = arith.cmpi eq, %arg1, %eq3A_8 : i32
    %convert_element_type3A_10 = arith.extui %eq3A_9 : i1 to i32
    %cond3A_11 = arith.constant 0 : i32
    %cond3A_12 = arith.cmpi ne, %convert_element_type3A_10, %cond3A_11 : i32
    scf.if %cond3A_12 {
      %run_scoped3A = arith.constant 0 : i32
      "tpu.region"() ({
        %run_scoped3A_89 = tpu.sem_alloc : memref<!tpu.dma_semaphore, #tpu.memory_space<semaphore_mem>>
        %dma_start3A_90 = arith.constant 0 : i32
        %dma_start3A_91 = tpu.memref_slice %arg19[%run_scoped3A, %dma_start3A_90] : memref<4x10000xf32, #tpu.memory_space<vmem_shared>> -> memref<1x10000xf32, #tpu.memory_space<vmem_shared>>
        %dma_start3A_92 = tpu.memref_squeeze %dma_start3A_91 : memref<1x10000xf32, #tpu.memory_space<vmem_shared>> -> memref<10000xf32, #tpu.memory_space<vmem_shared>>
        tpu.enqueue_dma source(%arg2 : memref<10000xf32, #tpu.memory_space<hbm>>) target(%dma_start3A_92 : memref<10000xf32, #tpu.memory_space<vmem_shared>>) target_semaphore(%run_scoped3A_89 : memref<!tpu.dma_semaphore, #tpu.memory_space<semaphore_mem>>)
        %dma_wait3A_93 = arith.constant 0 : i32
        %dma_wait3A_94 = tpu.memref_slice %arg19[%run_scoped3A, %dma_wait3A_93] : memref<4x10000xf32, #tpu.memory_space<vmem_shared>> -> memref<1x10000xf32, #tpu.memory_space<vmem_shared>>
        %dma_wait3A_95 = tpu.memref_squeeze %dma_wait3A_94 : memref<1x10000xf32, #tpu.memory_space<vmem_shared>> -> memref<10000xf32, #tpu.memory_space<vmem_shared>>
        tpu.wait_dma2 semaphore(%run_scoped3A_89 : memref<!tpu.dma_semaphore, #tpu.memory_space<semaphore_mem>>) src(%arg2 : memref<10000xf32, #tpu.memory_space<hbm>>) dst(%dma_wait3A_95 : memref<10000xf32, #tpu.memory_space<vmem_shared>>)
        tpu.yield
      }) : () -> ()
    } else {
    }
    %eq3A_13 = arith.constant 2 : i32
    %eq3A_14 = arith.cmpi eq, %arg1, %eq3A_13 : i32
    %convert_element_type3A_15 = arith.extui %eq3A_14 : i1 to i32
    %cond3A_16 = arith.constant 0 : i32
    %cond3A_17 = arith.cmpi ne, %convert_element_type3A_15, %cond3A_16 : i32
    scf.if %cond3A_17 {
      %run_scoped3A = arith.constant 1 : i32
      "tpu.region"() ({
        %run_scoped3A_89 = tpu.sem_alloc : memref<!tpu.dma_semaphore, #tpu.memory_space<semaphore_mem>>
        %dma_start3A_90 = arith.constant 0 : i32
        %dma_start3A_91 = tpu.memref_slice %arg19[%run_scoped3A, %dma_start3A_90] : memref<4x10000xf32, #tpu.memory_space<vmem_shared>> -> memref<1x10000xf32, #tpu.memory_space<vmem_shared>>
        %dma_start3A_92 = tpu.memref_squeeze %dma_start3A_91 : memref<1x10000xf32, #tpu.memory_space<vmem_shared>> -> memref<10000xf32, #tpu.memory_space<vmem_shared>>
        tpu.enqueue_dma source(%arg3 : memref<10000xf32, #tpu.memory_space<hbm>>) target(%dma_start3A_92 : memref<10000xf32, #tpu.memory_space<vmem_shared>>) target_semaphore(%run_scoped3A_89 : memref<!tpu.dma_semaphore, #tpu.memory_space<semaphore_mem>>)
        %dma_wait3A_93 = arith.constant 0 : i32
        %dma_wait3A_94 = tpu.memref_slice %arg19[%run_scoped3A, %dma_wait3A_93] : memref<4x10000xf32, #tpu.memory_space<vmem_shared>> -> memref<1x10000xf32, #tpu.memory_space<vmem_shared>>
        %dma_wait3A_95 = tpu.memref_squeeze %dma_wait3A_94 : memref<1x10000xf32, #tpu.memory_space<vmem_shared>> -> memref<10000xf32, #tpu.memory_space<vmem_shared>>
        tpu.wait_dma2 semaphore(%run_scoped3A_89 : memref<!tpu.dma_semaphore, #tpu.memory_space<semaphore_mem>>) src(%arg3 : memref<10000xf32, #tpu.memory_space<hbm>>) dst(%dma_wait3A_95 : memref<10000xf32, #tpu.memory_space<vmem_shared>>)
        tpu.yield
      }) : () -> ()
    } else {
    }
    %eq3A_18 = arith.constant 3 : i32
    %eq3A_19 = arith.cmpi eq, %arg1, %eq3A_18 : i32
    %convert_element_type3A_20 = arith.extui %eq3A_19 : i1 to i32
    %cond3A_21 = arith.constant 0 : i32
    %cond3A_22 = arith.cmpi ne, %convert_element_type3A_20, %cond3A_21 : i32
    scf.if %cond3A_22 {
      %run_scoped3A = arith.constant 2 : i32
      "tpu.region"() ({
        %run_scoped3A_89 = tpu.sem_alloc : memref<!tpu.dma_semaphore, #tpu.memory_space<semaphore_mem>>
        %dma_start3A_90 = arith.constant 0 : i32
        %dma_start3A_91 = tpu.memref_slice %arg19[%run_scoped3A, %dma_start3A_90] : memref<4x10000xf32, #tpu.memory_space<vmem_shared>> -> memref<1x10000xf32, #tpu.memory_space<vmem_shared>>
        %dma_start3A_92 = tpu.memref_squeeze %dma_start3A_91 : memref<1x10000xf32, #tpu.memory_space<vmem_shared>> -> memref<10000xf32, #tpu.memory_space<vmem_shared>>
        tpu.enqueue_dma source(%arg4 : memref<10000xf32, #tpu.memory_space<hbm>>) target(%dma_start3A_92 : memref<10000xf32, #tpu.memory_space<vmem_shared>>) target_semaphore(%run_scoped3A_89 : memref<!tpu.dma_semaphore, #tpu.memory_space<semaphore_mem>>)
        %dma_wait3A_93 = arith.constant 0 : i32
        %dma_wait3A_94 = tpu.memref_slice %arg19[%run_scoped3A, %dma_wait3A_93] : memref<4x10000xf32, #tpu.memory_space<vmem_shared>> -> memref<1x10000xf32, #tpu.memory_space<vmem_shared>>
        %dma_wait3A_95 = tpu.memref_squeeze %dma_wait3A_94 : memref<1x10000xf32, #tpu.memory_space<vmem_shared>> -> memref<10000xf32, #tpu.memory_space<vmem_shared>>
        tpu.wait_dma2 semaphore(%run_scoped3A_89 : memref<!tpu.dma_semaphore, #tpu.memory_space<semaphore_mem>>) src(%arg4 : memref<10000xf32, #tpu.memory_space<hbm>>) dst(%dma_wait3A_95 : memref<10000xf32, #tpu.memory_space<vmem_shared>>)
        tpu.yield
      }) : () -> ()
    } else {
    }
    %eq3A_23 = arith.constant 4 : i32
    %eq3A_24 = arith.cmpi eq, %arg1, %eq3A_23 : i32
    %convert_element_type3A_25 = arith.extui %eq3A_24 : i1 to i32
    %cond3A_26 = arith.constant 0 : i32
    %cond3A_27 = arith.cmpi ne, %convert_element_type3A_25, %cond3A_26 : i32
    scf.if %cond3A_27 {
      %run_scoped3A = arith.constant 3 : i32
      "tpu.region"() ({
        %run_scoped3A_89 = tpu.sem_alloc : memref<!tpu.dma_semaphore, #tpu.memory_space<semaphore_mem>>
        %dma_start3A_90 = arith.constant 0 : i32
        %dma_start3A_91 = tpu.memref_slice %arg19[%run_scoped3A, %dma_start3A_90] : memref<4x10000xf32, #tpu.memory_space<vmem_shared>> -> memref<1x10000xf32, #tpu.memory_space<vmem_shared>>
        %dma_start3A_92 = tpu.memref_squeeze %dma_start3A_91 : memref<1x10000xf32, #tpu.memory_space<vmem_shared>> -> memref<10000xf32, #tpu.memory_space<vmem_shared>>
        tpu.enqueue_dma source(%arg5 : memref<10000xf32, #tpu.memory_space<hbm>>) target(%dma_start3A_92 : memref<10000xf32, #tpu.memory_space<vmem_shared>>) target_semaphore(%run_scoped3A_89 : memref<!tpu.dma_semaphore, #tpu.memory_space<semaphore_mem>>)
        %dma_wait3A_93 = arith.constant 0 : i32
        %dma_wait3A_94 = tpu.memref_slice %arg19[%run_scoped3A, %dma_wait3A_93] : memref<4x10000xf32, #tpu.memory_space<vmem_shared>> -> memref<1x10000xf32, #tpu.memory_space<vmem_shared>>
        %dma_wait3A_95 = tpu.memref_squeeze %dma_wait3A_94 : memref<1x10000xf32, #tpu.memory_space<vmem_shared>> -> memref<10000xf32, #tpu.memory_space<vmem_shared>>
        tpu.wait_dma2 semaphore(%run_scoped3A_89 : memref<!tpu.dma_semaphore, #tpu.memory_space<semaphore_mem>>) src(%arg5 : memref<10000xf32, #tpu.memory_space<hbm>>) dst(%dma_wait3A_95 : memref<10000xf32, #tpu.memory_space<vmem_shared>>)
        tpu.yield
      }) : () -> ()
    } else {
    }
    %barrier3A = arith.constant 0 : index
    tpu.barrier barrier_id(%barrier3A)
    tpu.enqueue_dma source(%arg19 : memref<4x10000xf32, #tpu.memory_space<vmem_shared>>) target(%arg12 : memref<4x10000xf32, #tpu.memory_space<vmem>>) target_semaphore(%arg20 : memref<!tpu.dma_semaphore, #tpu.memory_space<semaphore_mem>>)
    %broadcast_in_dim3A = arith.constant 0.000000e+00 : f32
    %broadcast_in_dim3A_28 = vector.broadcast %broadcast_in_dim3A : f32 to vector<16xf32>
    %parallel_loop3A = arith.constant 0 : i32
    %parallel_loop3A_29 = arith.constant 640 : i32
    %parallel_loop3A_30 = arith.constant 1 : i32
    scf.for %parallel_loop3A_89 = %parallel_loop3A to %parallel_loop3A_29 step %parallel_loop3A_30  : i32 {
      %parallel_loop3A_90 = arith.constant 16 : i32
      %parallel_loop3A_91 = arith.muli %parallel_loop3A_89, %parallel_loop3A_90 : i32
      %parallel_loop3A_92 = tpu.assume_multiple %parallel_loop3A_91, 8 : i32
      %parallel_loop3A_93 = arith.constant 0 : i32
      %parallel_loop3A_94 = arith.index_cast %parallel_loop3A_93 : i32 to index
      %parallel_loop3A_95 = arith.index_cast %parallel_loop3A_92 : i32 to index
      %parallel_loop3A_96 = tpu.vector_load %arg16[%parallel_loop3A_94, %parallel_loop3A_95] {strides = array<i32>} : memref<3x10240xf32, #tpu.memory_space<vmem>>, vector<16xf32>,
      tpu.vector_store %arg16[%parallel_loop3A_94, %parallel_loop3A_95], %broadcast_in_dim3A_28 {strides = array<i32>} : memref<3x10240xf32, #tpu.memory_space<vmem>>, vector<16xf32>,
      %parallel_loop3A_97 = arith.constant 1 : i32
      %parallel_loop3A_98 = arith.index_cast %parallel_loop3A_97 : i32 to index
      %parallel_loop3A_99 = arith.index_cast %parallel_loop3A_92 : i32 to index
      %parallel_loop3A_100 = tpu.vector_load %arg16[%parallel_loop3A_98, %parallel_loop3A_99] {strides = array<i32>} : memref<3x10240xf32, #tpu.memory_space<vmem>>, vector<16xf32>,
      tpu.vector_store %arg16[%parallel_loop3A_98, %parallel_loop3A_99], %broadcast_in_dim3A_28 {strides = array<i32>} : memref<3x10240xf32, #tpu.memory_space<vmem>>, vector<16xf32>,
      %parallel_loop3A_101 = arith.constant 2 : i32
      %parallel_loop3A_102 = arith.index_cast %parallel_loop3A_101 : i32 to index
      %parallel_loop3A_103 = arith.index_cast %parallel_loop3A_92 : i32 to index
      %parallel_loop3A_104 = tpu.vector_load %arg16[%parallel_loop3A_102, %parallel_loop3A_103] {strides = array<i32>} : memref<3x10240xf32, #tpu.memory_space<vmem>>, vector<16xf32>,
      tpu.vector_store %arg16[%parallel_loop3A_102, %parallel_loop3A_103], %broadcast_in_dim3A_28 {strides = array<i32>} : memref<3x10240xf32, #tpu.memory_space<vmem>>, vector<16xf32>,
    } {sc.loop_unroll_factor = 4 : i64, sc.parallel_access}
    tpu.wait_dma2 semaphore(%arg20 : memref<!tpu.dma_semaphore, #tpu.memory_space<semaphore_mem>>) src(%arg19 : memref<4x10000xf32, #tpu.memory_space<vmem_shared>>) dst(%arg12 : memref<4x10000xf32, #tpu.memory_space<vmem>>)
    tpu.wait_dma2 semaphore(%arg20 : memref<!tpu.dma_semaphore, #tpu.memory_space<semaphore_mem>>) src(%arg6 : memref<16xf32, #tpu.memory_space<hbm>>) dst(%arg13 : memref<16xf32, #tpu.memory_space<vmem>>)
    tpu.wait_dma2 semaphore(%arg20 : memref<!tpu.dma_semaphore, #tpu.memory_space<semaphore_mem>>) src(%arg9 : memref<3xi32, #tpu.memory_space<hbm>>) dst(%arg17 : memref<3xi32, #tpu.memory_space<vmem>>)
    %dma_wait3A = tpu.memref_slice %arg7[%multiple_of3A] : memref<320000xi32, #tpu.memory_space<hbm>> -> memref<10000xi32, #tpu.memory_space<hbm>>
    %dma_wait3A_31 = tpu.memref_slice %arg7[%multiple_of3A] : memref<320000xi32, #tpu.memory_space<hbm>> -> memref<10000xi32, #tpu.memory_space<hbm>>
    tpu.wait_dma2 semaphore(%arg20 : memref<!tpu.dma_semaphore, #tpu.memory_space<semaphore_mem>>) src(%dma_wait3A_31 : memref<10000xi32, #tpu.memory_space<hbm>>) dst(%arg14 : memref<10000xi32, #tpu.memory_space<vmem>>)
    %dma_wait3A_32 = tpu.memref_slice %arg8[%multiple_of3A] : memref<320000xi32, #tpu.memory_space<hbm>> -> memref<10000xi32, #tpu.memory_space<hbm>>
    %dma_wait3A_33 = tpu.memref_slice %arg8[%multiple_of3A] : memref<320000xi32, #tpu.memory_space<hbm>> -> memref<10000xi32, #tpu.memory_space<hbm>>
    tpu.wait_dma2 semaphore(%arg20 : memref<!tpu.dma_semaphore, #tpu.memory_space<semaphore_mem>>) src(%dma_wait3A_33 : memref<10000xi32, #tpu.memory_space<hbm>>) dst(%arg15 : memref<10000xi32, #tpu.memory_space<vmem>>)
    "tpu.trace_stop"() : () -> ()
    %get3A = arith.constant 0 : index
    %get3A_34 = tpu.vector_load %arg13[%get3A] {strides = array<i32>} : memref<16xf32, #tpu.memory_space<vmem>>, vector<16xf32>,
    %broadcast_in_dim3A_35 = arith.constant 0 : i32
    %broadcast_in_dim3A_36 = vector.broadcast %broadcast_in_dim3A_35 : i32 to vector<16xi32>
    %add3A_37 = arith.constant 1 : i32
    %add3A_38 = vector.broadcast %add3A_37 : i32 to vector<16xi32>
    %add3A_39 = arith.addi %broadcast_in_dim3A_36, %add3A_38 : vector<16xi32>
    %add3A_40 = arith.constant 2 : i32
    %add3A_41 = vector.broadcast %add3A_40 : i32 to vector<16xi32>
    %add3A_42 = arith.addi %broadcast_in_dim3A_36, %add3A_41 : vector<16xi32>
    %add3A_43 = arith.constant 3 : i32
    %add3A_44 = vector.broadcast %add3A_43 : i32 to vector<16xi32>
    %add3A_45 = arith.addi %broadcast_in_dim3A_36, %add3A_44 : vector<16xi32>
    %parallel_loop3A_46 = arith.constant 0 : i32
    %parallel_loop3A_47 = arith.constant 625 : i32
    %parallel_loop3A_48 = arith.constant 1 : i32
    "tpu.trace_start"() <{level = 10 : i32, message = "sc_edges"}> : () -> ()
    scf.for %parallel_loop3A_89 = %parallel_loop3A_46 to %parallel_loop3A_47 step %parallel_loop3A_48  : i32 {
      %parallel_loop3A_90 = arith.constant 16 : i32
      %parallel_loop3A_91 = arith.muli %parallel_loop3A_89, %parallel_loop3A_90 : i32
      %parallel_loop3A_92 = tpu.assume_multiple %parallel_loop3A_91, 8 : i32
      %parallel_loop3A_93 = arith.index_cast %parallel_loop3A_92 : i32 to index
      %parallel_loop3A_94 = tpu.vector_load %arg14[%parallel_loop3A_93] {strides = array<i32>} : memref<10000xi32, #tpu.memory_space<vmem>>, vector<16xi32>,
      %parallel_loop3A_95 = arith.index_cast %parallel_loop3A_92 : i32 to index
      %parallel_loop3A_96 = tpu.vector_load %arg15[%parallel_loop3A_95] {strides = array<i32>} : memref<10000xi32, #tpu.memory_space<vmem>>, vector<16xi32>,
      %parallel_loop3A_97 = tpu.vector_load_idx %arg12[%broadcast_in_dim3A_36, %parallel_loop3A_94] : memref<4x10000xf32, #tpu.memory_space<vmem>>[vector<16xi32>, vector<16xi32>], vector<16xf32>,
      %parallel_loop3A_98 = tpu.vector_load_idx %arg12[%add3A_39, %parallel_loop3A_96] : memref<4x10000xf32, #tpu.memory_space<vmem>>[vector<16xi32>, vector<16xi32>], vector<16xf32>,
      %parallel_loop3A_99 = arith.addf %parallel_loop3A_97, %parallel_loop3A_98 : vector<16xf32>
      %parallel_loop3A_100 = arith.constant 2.000000e-01 : f32
      %parallel_loop3A_101 = vector.broadcast %parallel_loop3A_100 : f32 to vector<16xf32>
      %parallel_loop3A_102 = arith.mulf %parallel_loop3A_101, %parallel_loop3A_99 : vector<16xf32>
      %parallel_loop3A_103 = arith.maximumf %parallel_loop3A_99, %parallel_loop3A_102 : vector<16xf32>
      %parallel_loop3A_104 = arith.subf %parallel_loop3A_103, %get3A_34 : vector<16xf32>
      %parallel_loop3A_105 = math.exp %parallel_loop3A_104 : vector<16xf32>
      %parallel_loop3A_106 = tpu.vector_load_idx %arg12[%add3A_42, %parallel_loop3A_94] : memref<4x10000xf32, #tpu.memory_space<vmem>>[vector<16xi32>, vector<16xi32>], vector<16xf32>,
      %parallel_loop3A_107 = tpu.vector_load_idx %arg12[%add3A_45, %parallel_loop3A_94] : memref<4x10000xf32, #tpu.memory_space<vmem>>[vector<16xi32>, vector<16xi32>], vector<16xf32>,
      tpu.vector_store_idx %arg16[%broadcast_in_dim3A_36, %parallel_loop3A_96], %parallel_loop3A_105 {add = true} : memref<3x10240xf32, #tpu.memory_space<vmem>>[vector<16xi32>, vector<16xi32>], vector<16xf32>,
      %parallel_loop3A_108 = arith.mulf %parallel_loop3A_105, %parallel_loop3A_106 : vector<16xf32>
      tpu.vector_store_idx %arg16[%add3A_39, %parallel_loop3A_96], %parallel_loop3A_108 {add = true} : memref<3x10240xf32, #tpu.memory_space<vmem>>[vector<16xi32>, vector<16xi32>], vector<16xf32>,
      %parallel_loop3A_109 = arith.mulf %parallel_loop3A_105, %parallel_loop3A_107 : vector<16xf32>
      tpu.vector_store_idx %arg16[%add3A_42, %parallel_loop3A_96], %parallel_loop3A_109 {add = true} : memref<3x10240xf32, #tpu.memory_space<vmem>>[vector<16xi32>, vector<16xi32>], vector<16xf32>,
    } {sc.loop_unroll_factor = 5 : i64, sc.parallel_access}
    "tpu.trace_stop"() : () -> ()
    "tpu.trace_start"() <{level = 10 : i32, message = "sc_selfloop"}> : () -> ()
    %mul3A_49 = arith.constant 320 : i32
    %mul3A_50 = arith.muli %add3A, %mul3A_49 : i32
    %multiple_of3A_51 = tpu.assume_multiple %mul3A_50, 8 : i32
    %sub3A = arith.constant 10000 : i32
    %sub3A_52 = arith.subi %sub3A, %multiple_of3A_51 : i32
    %min3A = arith.constant 320 : i32
    %min3A_53 = arith.minsi %min3A, %sub3A_52 : i32
    %add3A_54 = arith.constant 16 : i32
    %add3A_55 = arith.addi %min3A_53, %add3A_54 : i32
    %sub3A_56 = arith.constant 1 : i32
    %sub3A_57 = arith.subi %add3A_55, %sub3A_56 : i32
    %jit3A = arith.constant 16 : i32
    %div3A = arith.divsi %sub3A_57, %jit3A : i32
    %sign3A = arith.constant 0 : i32
    %sign3A_58 = arith.cmpi sgt, %sub3A_57, %sign3A : i32
    %sign3A_59 = arith.extui %sign3A_58 : i1 to i32
    %sign3A_60 = arith.constant 0 : i32
    %sign3A_61 = arith.cmpi slt, %sub3A_57, %sign3A_60 : i32
    %sign3A_62 = arith.extui %sign3A_61 : i1 to i32
    %sign3A_63 = arith.subi %sign3A_59, %sign3A_62 : i32
    %sign3A_64 = arith.constant 0 : i32
    %sign3A_65 = arith.cmpi sgt, %jit3A, %sign3A_64 : i32
    %sign3A_66 = arith.extui %sign3A_65 : i1 to i32
    %sign3A_67 = arith.constant 0 : i32
    %sign3A_68 = arith.cmpi slt, %jit3A, %sign3A_67 : i32
    %sign3A_69 = arith.extui %sign3A_68 : i1 to i32
    %sign3A_70 = arith.subi %sign3A_66, %sign3A_69 : i32
    %ne3A = arith.cmpi ne, %sign3A_63, %sign3A_70 : i32
    %rem3A = arith.remsi %sub3A_57, %jit3A : i32
    %ne3A_71 = arith.constant 0 : i32
    %ne3A_72 = arith.cmpi ne, %rem3A, %ne3A_71 : i32
    %and3A = arith.andi %ne3A, %ne3A_72 : i1
    %sub3A_73 = arith.constant 1 : i32
    %sub3A_74 = arith.subi %div3A, %sub3A_73 : i32
    %select_n3A = arith.select %and3A, %sub3A_74, %div3A : i32
    %while3A = arith.constant 0 : i32
    %while3A_75 = arith.constant 0 : i32
    %while3A_76 = arith.subi %select_n3A, %while3A_75 : i32
    %while3A_77 = arith.addi %while3A_75, %while3A_76 : i32
    %while3A_78 = arith.constant 1 : i32
    %while3A_79 = arith.divsi %while3A_76, %while3A_78 : i32
    %while3A_80 = arith.muli %while3A_79, %while3A_78 : i32
    %while3A_81 = arith.addi %while3A_75, %while3A_80 : i32
    %while3A_82 = arith.constant 1 : i32
    scf.for %while3A_89 = %while3A_75 to %while3A_81 step %while3A_82  : i32 {
      %mul3A_90 = arith.constant 16 : i32
      %mul3A_91 = arith.muli %while3A_89, %mul3A_90 : i32
      %add3A_92 = arith.addi %multiple_of3A_51, %mul3A_91 : i32
      %get3A_93 = arith.constant 0 : i32
      %get3A_94 = arith.index_cast %get3A_93 : i32 to index
      %get3A_95 = arith.index_cast %add3A_92 : i32 to index
      %get3A_96 = tpu.vector_load %arg12[%get3A_94, %get3A_95] {strides = array<i32>} : memref<4x10000xf32, #tpu.memory_space<vmem>>, vector<16xf32>,
      %get3A_97 = arith.constant 1 : i32
      %get3A_98 = arith.index_cast %get3A_97 : i32 to index
      %get3A_99 = arith.index_cast %add3A_92 : i32 to index
      %get3A_100 = tpu.vector_load %arg12[%get3A_98, %get3A_99] {strides = array<i32>} : memref<4x10000xf32, #tpu.memory_space<vmem>>, vector<16xf32>,
      %add3A_101 = arith.addf %get3A_96, %get3A_100 : vector<16xf32>
      %mul3A_102 = arith.constant 2.000000e-01 : f32
      %mul3A_103 = vector.broadcast %mul3A_102 : f32 to vector<16xf32>
      %mul3A_104 = arith.mulf %mul3A_103, %add3A_101 : vector<16xf32>
      %max3A = arith.maximumf %add3A_101, %mul3A_104 : vector<16xf32>
      %sub3A_105 = arith.subf %max3A, %get3A_34 : vector<16xf32>
      %exp3A = math.exp %sub3A_105 : vector<16xf32>
      %swap3A = arith.constant 0 : i32
      %swap3A_106 = arith.index_cast %swap3A : i32 to index
      %swap3A_107 = arith.index_cast %add3A_92 : i32 to index
      %swap3A_108 = tpu.vector_load %arg16[%swap3A_106, %swap3A_107] {strides = array<i32>} : memref<3x10240xf32, #tpu.memory_space<vmem>>, vector<16xf32>,
      tpu.vector_store %arg16[%swap3A_106, %swap3A_107], %exp3A {add = true, strides = array<i32>} : memref<3x10240xf32, #tpu.memory_space<vmem>>, vector<16xf32>,
      %get3A_109 = arith.constant 2 : i32
      %get3A_110 = arith.index_cast %get3A_109 : i32 to index
      %get3A_111 = arith.index_cast %add3A_92 : i32 to index
      %get3A_112 = tpu.vector_load %arg12[%get3A_110, %get3A_111] {strides = array<i32>} : memref<4x10000xf32, #tpu.memory_space<vmem>>, vector<16xf32>,
      %mul3A_113 = arith.mulf %exp3A, %get3A_112 : vector<16xf32>
      %swap3A_114 = arith.constant 1 : i32
      %swap3A_115 = arith.index_cast %swap3A_114 : i32 to index
      %swap3A_116 = arith.index_cast %add3A_92 : i32 to index
      %swap3A_117 = tpu.vector_load %arg16[%swap3A_115, %swap3A_116] {strides = array<i32>} : memref<3x10240xf32, #tpu.memory_space<vmem>>, vector<16xf32>,
      tpu.vector_store %arg16[%swap3A_115, %swap3A_116], %mul3A_113 {add = true, strides = array<i32>} : memref<3x10240xf32, #tpu.memory_space<vmem>>, vector<16xf32>,
      %get3A_118 = arith.constant 3 : i32
      %get3A_119 = arith.index_cast %get3A_118 : i32 to index
      %get3A_120 = arith.index_cast %add3A_92 : i32 to index
      %get3A_121 = tpu.vector_load %arg12[%get3A_119, %get3A_120] {strides = array<i32>} : memref<4x10000xf32, #tpu.memory_space<vmem>>, vector<16xf32>,
      %mul3A_122 = arith.mulf %exp3A, %get3A_121 : vector<16xf32>
      %swap3A_123 = arith.constant 2 : i32
      %swap3A_124 = arith.index_cast %swap3A_123 : i32 to index
      %swap3A_125 = arith.index_cast %add3A_92 : i32 to index
      %swap3A_126 = tpu.vector_load %arg16[%swap3A_124, %swap3A_125] {strides = array<i32>} : memref<3x10240xf32, #tpu.memory_space<vmem>>, vector<16xf32>,
      tpu.vector_store %arg16[%swap3A_124, %swap3A_125], %mul3A_122 {add = true, strides = array<i32>} : memref<3x10240xf32, #tpu.memory_space<vmem>>, vector<16xf32>,
    }
    %while3A_83 = arith.constant 1 : i32
    scf.for %while3A_89 = %while3A_81 to %while3A_77 step %while3A_83  : i32 {
      %mul3A_90 = arith.constant 16 : i32
      %mul3A_91 = arith.muli %while3A_89, %mul3A_90 : i32
      %add3A_92 = arith.addi %multiple_of3A_51, %mul3A_91 : i32
      %get3A_93 = arith.constant 0 : i32
      %get3A_94 = arith.index_cast %get3A_93 : i32 to index
      %get3A_95 = arith.index_cast %add3A_92 : i32 to index
      %get3A_96 = tpu.vector_load %arg12[%get3A_94, %get3A_95] {strides = array<i32>} : memref<4x10000xf32, #tpu.memory_space<vmem>>, vector<16xf32>,
      %get3A_97 = arith.constant 1 : i32
      %get3A_98 = arith.index_cast %get3A_97 : i32 to index
      %get3A_99 = arith.index_cast %add3A_92 : i32 to index
      %get3A_100 = tpu.vector_load %arg12[%get3A_98, %get3A_99] {strides = array<i32>} : memref<4x10000xf32, #tpu.memory_space<vmem>>, vector<16xf32>,
      %add3A_101 = arith.addf %get3A_96, %get3A_100 : vector<16xf32>
      %mul3A_102 = arith.constant 2.000000e-01 : f32
      %mul3A_103 = vector.broadcast %mul3A_102 : f32 to vector<16xf32>
      %mul3A_104 = arith.mulf %mul3A_103, %add3A_101 : vector<16xf32>
      %max3A = arith.maximumf %add3A_101, %mul3A_104 : vector<16xf32>
      %sub3A_105 = arith.subf %max3A, %get3A_34 : vector<16xf32>
      %exp3A = math.exp %sub3A_105 : vector<16xf32>
      %swap3A = arith.constant 0 : i32
      %swap3A_106 = arith.index_cast %swap3A : i32 to index
      %swap3A_107 = arith.index_cast %add3A_92 : i32 to index
      %swap3A_108 = tpu.vector_load %arg16[%swap3A_106, %swap3A_107] {strides = array<i32>} : memref<3x10240xf32, #tpu.memory_space<vmem>>, vector<16xf32>,
      tpu.vector_store %arg16[%swap3A_106, %swap3A_107], %exp3A {add = true, strides = array<i32>} : memref<3x10240xf32, #tpu.memory_space<vmem>>, vector<16xf32>,
      %get3A_109 = arith.constant 2 : i32
      %get3A_110 = arith.index_cast %get3A_109 : i32 to index
      %get3A_111 = arith.index_cast %add3A_92 : i32 to index
      %get3A_112 = tpu.vector_load %arg12[%get3A_110, %get3A_111] {strides = array<i32>} : memref<4x10000xf32, #tpu.memory_space<vmem>>, vector<16xf32>,
      %mul3A_113 = arith.mulf %exp3A, %get3A_112 : vector<16xf32>
      %swap3A_114 = arith.constant 1 : i32
      %swap3A_115 = arith.index_cast %swap3A_114 : i32 to index
      %swap3A_116 = arith.index_cast %add3A_92 : i32 to index
      %swap3A_117 = tpu.vector_load %arg16[%swap3A_115, %swap3A_116] {strides = array<i32>} : memref<3x10240xf32, #tpu.memory_space<vmem>>, vector<16xf32>,
      tpu.vector_store %arg16[%swap3A_115, %swap3A_116], %mul3A_113 {add = true, strides = array<i32>} : memref<3x10240xf32, #tpu.memory_space<vmem>>, vector<16xf32>,
      %get3A_118 = arith.constant 3 : i32
      %get3A_119 = arith.index_cast %get3A_118 : i32 to index
      %get3A_120 = arith.index_cast %add3A_92 : i32 to index
      %get3A_121 = tpu.vector_load %arg12[%get3A_119, %get3A_120] {strides = array<i32>} : memref<4x10000xf32, #tpu.memory_space<vmem>>, vector<16xf32>,
      %mul3A_122 = arith.mulf %exp3A, %get3A_121 : vector<16xf32>
      %swap3A_123 = arith.constant 2 : i32
      %swap3A_124 = arith.index_cast %swap3A_123 : i32 to index
      %swap3A_125 = arith.index_cast %add3A_92 : i32 to index
      %swap3A_126 = tpu.vector_load %arg16[%swap3A_124, %swap3A_125] {strides = array<i32>} : memref<3x10240xf32, #tpu.memory_space<vmem>>, vector<16xf32>,
      tpu.vector_store %arg16[%swap3A_124, %swap3A_125], %mul3A_122 {add = true, strides = array<i32>} : memref<3x10240xf32, #tpu.memory_space<vmem>>, vector<16xf32>,
    }
    "tpu.trace_stop"() : () -> ()
    "tpu.trace_start"() <{level = 10 : i32, message = "sc_combine"}> : () -> ()
    %barrier3A_84 = arith.constant 0 : index
    tpu.barrier barrier_id(%barrier3A_84)
    "tpu.region"() ({
      %run_scoped3A = tpu.sem_alloc : memref<!tpu.dma_semaphore, #tpu.memory_space<semaphore_mem>>
      %dma_start3A_89 = arith.constant 0 : i32
      %dma_start3A_90 = arith.constant 0 : i32
      %dma_start3A_91 = tpu.memref_slice %arg18[%dma_start3A_89, %dma_start3A_90] : memref<3x10240xf32, #tpu.memory_space<vmem_shared>> -> memref<3x10240xf32, #tpu.memory_space<vmem_shared>>
      tpu.enqueue_indirect_dma source(%arg16 : memref<3x10240xf32, #tpu.memory_space<vmem>>) target(%dma_start3A_91 : memref<3x10240xf32, #tpu.memory_space<vmem_shared>>) offsets(%arg17 : memref<3xi32, #tpu.memory_space<vmem>>) semaphore(%run_scoped3A : memref<!tpu.dma_semaphore, #tpu.memory_space<semaphore_mem>>) {add = true}
      %dma_wait3A_92 = arith.constant 0 : i32
      %dma_wait3A_93 = arith.constant 0 : i32
      %dma_wait3A_94 = tpu.memref_slice %arg18[%dma_wait3A_92, %dma_wait3A_93] : memref<3x10240xf32, #tpu.memory_space<vmem_shared>> -> memref<3x10240xf32, #tpu.memory_space<vmem_shared>>
      tpu.wait_indirect_dma semaphore(%run_scoped3A : memref<!tpu.dma_semaphore, #tpu.memory_space<semaphore_mem>>) src(%arg16 : memref<3x10240xf32, #tpu.memory_space<vmem>>) dst(%dma_wait3A_94 : memref<3x10240xf32, #tpu.memory_space<vmem_shared>>)
      tpu.yield
    }) : () -> ()
    %barrier3A_85 = arith.constant 0 : index
    tpu.barrier barrier_id(%barrier3A_85)
    "tpu.trace_stop"() : () -> ()
    "tpu.trace_start"() <{level = 10 : i32, message = "sc_writeback"}> : () -> ()
    %mul3A_86 = arith.constant 640 : i32
    %mul3A_87 = arith.muli %arg1, %mul3A_86 : i32
    %multiple_of3A_88 = tpu.assume_multiple %mul3A_87, 8 : i32
    "tpu.region"() ({
      %run_scoped3A = tpu.sem_alloc : memref<!tpu.dma_semaphore, #tpu.memory_space<semaphore_mem>>
      %dma_start3A_89 = arith.constant 0 : i32
      %dma_start3A_90 = tpu.memref_slice %arg11[%arg0, %dma_start3A_89, %multiple_of3A_88] : memref<2x3x10240xf32, #tpu.memory_space<hbm>> -> memref<1x3x640xf32, #tpu.memory_space<hbm>>
      %dma_start3A_91 = tpu.memref_squeeze %dma_start3A_90 : memref<1x3x640xf32, #tpu.memory_space<hbm>> -> memref<3x640xf32, #tpu.memory_space<hbm>>
      %dma_start3A_92 = arith.constant 0 : i32
      %dma_start3A_93 = tpu.memref_slice %arg18[%dma_start3A_92, %multiple_of3A_88] : memref<3x10240xf32, #tpu.memory_space<vmem_shared>> -> memref<3x640xf32, #tpu.memory_space<vmem_shared>>
      tpu.enqueue_dma source(%dma_start3A_93 : memref<3x640xf32, #tpu.memory_space<vmem_shared>>) target(%dma_start3A_91 : memref<3x640xf32, #tpu.memory_space<hbm>>) target_semaphore(%run_scoped3A : memref<!tpu.dma_semaphore, #tpu.memory_space<semaphore_mem>>)
      %dma_wait3A_94 = arith.constant 0 : i32
      %dma_wait3A_95 = tpu.memref_slice %arg11[%arg0, %dma_wait3A_94, %multiple_of3A_88] : memref<2x3x10240xf32, #tpu.memory_space<hbm>> -> memref<1x3x640xf32, #tpu.memory_space<hbm>>
      %dma_wait3A_96 = tpu.memref_squeeze %dma_wait3A_95 : memref<1x3x640xf32, #tpu.memory_space<hbm>> -> memref<3x640xf32, #tpu.memory_space<hbm>>
      %dma_wait3A_97 = arith.constant 0 : i32
      %dma_wait3A_98 = tpu.memref_slice %arg18[%dma_wait3A_97, %multiple_of3A_88] : memref<3x10240xf32, #tpu.memory_space<vmem_shared>> -> memref<3x640xf32, #tpu.memory_space<vmem_shared>>
      tpu.wait_dma2 semaphore(%run_scoped3A : memref<!tpu.dma_semaphore, #tpu.memory_space<semaphore_mem>>) src(%dma_wait3A_98 : memref<3x640xf32, #tpu.memory_space<vmem_shared>>) dst(%dma_wait3A_96 : memref<3x640xf32, #tpu.memory_space<hbm>>)
      tpu.yield
    }) : () -> ()
    "tpu.trace_stop"() : () -> ()
    return
  }
}

module attributes {stable_mosaic.version = 14 : i64} {
  func.func @_prologue_body(%arg0: memref<192x10000xf32, #tpu.memory_space<vmem>>, %arg1: memref<2x192xf32, #tpu.memory_space<vmem>>, %arg2: memref<2x320000xi32, #tpu.memory_space<vmem>>, %arg3: memref<1x2xf32, #tpu.memory_space<smem>>, %arg4: memref<1x2xf32, #tpu.memory_space<smem>>, %arg5: memref<10000xf32, #tpu.memory_space<vmem>>, %arg6: memref<10000xf32, #tpu.memory_space<vmem>>, %arg7: memref<10000xf32, #tpu.memory_space<vmem>>, %arg8: memref<10000xf32, #tpu.memory_space<vmem>>, %arg9: memref<16xf32, #tpu.memory_space<vmem>>, %arg10: memref<320000xi32, #tpu.memory_space<vmem>>, %arg11: memref<320000xi32, #tpu.memory_space<vmem>>) attributes {dimension_semantics = [], scalar_prefetch = 0 : i64, scratch_operands = 0 : i64, tpu.core_type = #tpu.core_type<tc>} {
    %get3A = arith.constant 0 : index
    %get3A_0 = arith.constant 0 : index
    %get3A_1 = vector.load %arg1[%get3A, %get3A_0] : memref<2x192xf32, #tpu.memory_space<vmem>>, vector<2x192xf32>
    %get3A_2 = arith.constant 0 : index
    %get3A_3 = arith.constant 0 : index
    %get3A_4 = vector.load %arg0[%get3A_2, %get3A_3] : memref<192x10000xf32, #tpu.memory_space<vmem>>, vector<192x10000xf32>
    %dot_general3A = arith.constant dense<0.000000e+00> : vector<2x10000xf32>
    %dot_general3A_5 = tpu.matmul %get3A_1, %get3A_4, %dot_general3A {dimension_numbers = #tpu.dot_dimension_numbers<[1], [0], [0], [1], [0, 0, 1, 1], [], []>, transpose_lhs_hint = false} : vector<2x192xf32>, vector<192x10000xf32>, vector<2x10000xf32> -> vector<2x10000xf32>
    %slice3A = vector.extract_strided_slice %dot_general3A_5 {offsets = [0, 0], sizes = [1, 10000], strides = [1, 1]} : vector<2x10000xf32> to vector<1x10000xf32>
    %get3A_6 = arith.constant 0 : index
    %get3A_7 = arith.constant 0 : index
    %get3A_8 = memref.load %arg3[%get3A_6, %get3A_7] : memref<1x2xf32, #tpu.memory_space<smem>>
    %mul3A = vector.broadcast %get3A_8 : f32 to vector<1x10000xf32>
    %mul3A_9 = arith.mulf %slice3A, %mul3A : vector<1x10000xf32>
    %slice3A_10 = vector.extract_strided_slice %dot_general3A_5 {offsets = [1, 0], sizes = [1, 10000], strides = [1, 1]} : vector<2x10000xf32> to vector<1x10000xf32>
    %get3A_11 = arith.constant 0 : index
    %get3A_12 = arith.constant 1 : index
    %get3A_13 = memref.load %arg3[%get3A_11, %get3A_12] : memref<1x2xf32, #tpu.memory_space<smem>>
    %mul3A_14 = vector.broadcast %get3A_13 : f32 to vector<1x10000xf32>
    %mul3A_15 = arith.mulf %slice3A_10, %mul3A_14 : vector<1x10000xf32>
    %add3A = arith.addf %mul3A_9, %mul3A_15 : vector<1x10000xf32>
    %slice3A_16 = vector.extract_strided_slice %dot_general3A_5 {offsets = [0, 0], sizes = [1, 10000], strides = [1, 1]} : vector<2x10000xf32> to vector<1x10000xf32>
    %get3A_17 = arith.constant 0 : index
    %get3A_18 = arith.constant 0 : index
    %get3A_19 = memref.load %arg4[%get3A_17, %get3A_18] : memref<1x2xf32, #tpu.memory_space<smem>>
    %mul3A_20 = vector.broadcast %get3A_19 : f32 to vector<1x10000xf32>
    %mul3A_21 = arith.mulf %slice3A_16, %mul3A_20 : vector<1x10000xf32>
    %slice3A_22 = vector.extract_strided_slice %dot_general3A_5 {offsets = [1, 0], sizes = [1, 10000], strides = [1, 1]} : vector<2x10000xf32> to vector<1x10000xf32>
    %get3A_23 = arith.constant 0 : index
    %get3A_24 = arith.constant 1 : index
    %get3A_25 = memref.load %arg4[%get3A_23, %get3A_24] : memref<1x2xf32, #tpu.memory_space<smem>>
    %mul3A_26 = vector.broadcast %get3A_25 : f32 to vector<1x10000xf32>
    %mul3A_27 = arith.mulf %slice3A_22, %mul3A_26 : vector<1x10000xf32>
    %add3A_28 = arith.addf %mul3A_21, %mul3A_27 : vector<1x10000xf32>
    %squeeze3A = vector.shape_cast %add3A : vector<1x10000xf32> to vector<10000xf32>
    %swap3A = arith.constant 0 : index
    %swap3A_29 = vector.load %arg5[%swap3A] : memref<10000xf32, #tpu.memory_space<vmem>>, vector<10000xf32>
    tpu.vector_store %arg5[%swap3A], %squeeze3A {strides = array<i32>} : memref<10000xf32, #tpu.memory_space<vmem>>, vector<10000xf32>,
    %squeeze3A_30 = vector.shape_cast %add3A_28 : vector<1x10000xf32> to vector<10000xf32>
    %swap3A_31 = arith.constant 0 : index
    %swap3A_32 = vector.load %arg6[%swap3A_31] : memref<10000xf32, #tpu.memory_space<vmem>>, vector<10000xf32>
    tpu.vector_store %arg6[%swap3A_31], %squeeze3A_30 {strides = array<i32>} : memref<10000xf32, #tpu.memory_space<vmem>>, vector<10000xf32>,
    %slice3A_33 = vector.extract_strided_slice %dot_general3A_5 {offsets = [0, 0], sizes = [1, 10000], strides = [1, 1]} : vector<2x10000xf32> to vector<1x10000xf32>
    %squeeze3A_34 = vector.shape_cast %slice3A_33 : vector<1x10000xf32> to vector<10000xf32>
    %swap3A_35 = arith.constant 0 : index
    %swap3A_36 = vector.load %arg7[%swap3A_35] : memref<10000xf32, #tpu.memory_space<vmem>>, vector<10000xf32>
    tpu.vector_store %arg7[%swap3A_35], %squeeze3A_34 {strides = array<i32>} : memref<10000xf32, #tpu.memory_space<vmem>>, vector<10000xf32>,
    %slice3A_37 = vector.extract_strided_slice %dot_general3A_5 {offsets = [1, 0], sizes = [1, 10000], strides = [1, 1]} : vector<2x10000xf32> to vector<1x10000xf32>
    %squeeze3A_38 = vector.shape_cast %slice3A_37 : vector<1x10000xf32> to vector<10000xf32>
    %swap3A_39 = arith.constant 0 : index
    %swap3A_40 = vector.load %arg8[%swap3A_39] : memref<10000xf32, #tpu.memory_space<vmem>>, vector<10000xf32>
    tpu.vector_store %arg8[%swap3A_39], %squeeze3A_38 {strides = array<i32>} : memref<10000xf32, #tpu.memory_space<vmem>>, vector<10000xf32>,
    %reduce_max3A = vector.shape_cast %add3A : vector<1x10000xf32> to vector<1x1x10000xf32>
    %reduce_max3A_41 = arith.constant dense<0xFF800000> : vector<1xf32>
    %reduce_max3A_42 = vector.multi_reduction <maximumf>, %reduce_max3A, %reduce_max3A_41 [1, 2] : vector<1x1x10000xf32> to vector<1xf32>
    %reduce_max3A_43 = vector.shape_cast %reduce_max3A_42 : vector<1xf32> to vector<1x1x1xf32>
    %reduce_max3A_44 = vector.extract %reduce_max3A_43[0, 0, 0] : f32 from vector<1x1x1xf32>
    %reduce_max3A_45 = vector.shape_cast %add3A_28 : vector<1x10000xf32> to vector<1x1x10000xf32>
    %reduce_max3A_46 = arith.constant dense<0xFF800000> : vector<1xf32>
    %reduce_max3A_47 = vector.multi_reduction <maximumf>, %reduce_max3A_45, %reduce_max3A_46 [1, 2] : vector<1x1x10000xf32> to vector<1xf32>
    %reduce_max3A_48 = vector.shape_cast %reduce_max3A_47 : vector<1xf32> to vector<1x1x1xf32>
    %reduce_max3A_49 = vector.extract %reduce_max3A_48[0, 0, 0] : f32 from vector<1x1x1xf32>
    %add3A_50 = arith.addf %reduce_max3A_44, %reduce_max3A_49 : f32
    %ge3A = arith.constant 0.000000e+00 : f32
    %ge3A_51 = arith.cmpf oge, %add3A_50, %ge3A : f32
    %mul3A_52 = arith.constant 2.000000e-01 : f32
    %mul3A_53 = arith.mulf %mul3A_52, %add3A_50 : f32
    %select_n3A = arith.select %ge3A_51, %add3A_50, %mul3A_53 : f32
    %broadcast_in_dim3A = vector.broadcast %select_n3A : f32 to vector<16xf32>
    %swap3A_54 = arith.constant 0 : index
    %swap3A_55 = vector.load %arg9[%swap3A_54] : memref<16xf32, #tpu.memory_space<vmem>>, vector<16xf32>
    tpu.vector_store %arg9[%swap3A_54], %broadcast_in_dim3A {strides = array<i32>} : memref<16xf32, #tpu.memory_space<vmem>>, vector<16xf32>,
    %get3A_56 = arith.constant 0 : index
    %get3A_57 = arith.constant 0 : index
    %get3A_58 = vector.load %arg2[%get3A_56, %get3A_57] : memref<2x320000xi32, #tpu.memory_space<vmem>>, vector<1x320000xi32>
    %get3A_59 = vector.shape_cast %get3A_58 : vector<1x320000xi32> to vector<320000xi32>
    %swap3A_60 = arith.constant 0 : index
    %swap3A_61 = vector.load %arg10[%swap3A_60] : memref<320000xi32, #tpu.memory_space<vmem>>, vector<320000xi32>
    tpu.vector_store %arg10[%swap3A_60], %get3A_59 {strides = array<i32>} : memref<320000xi32, #tpu.memory_space<vmem>>, vector<320000xi32>,
    %get3A_62 = arith.constant 1 : index
    %get3A_63 = arith.constant 0 : index
    %get3A_64 = vector.load %arg2[%get3A_62, %get3A_63] : memref<2x320000xi32, #tpu.memory_space<vmem>>, vector<1x320000xi32>
    %get3A_65 = vector.shape_cast %get3A_64 : vector<1x320000xi32> to vector<320000xi32>
    %swap3A_66 = arith.constant 0 : index
    %swap3A_67 = vector.load %arg11[%swap3A_66] : memref<320000xi32, #tpu.memory_space<vmem>>, vector<320000xi32>
    tpu.vector_store %arg11[%swap3A_66], %get3A_65 {strides = array<i32>} : memref<320000xi32, #tpu.memory_space<vmem>>, vector<320000xi32>,
    return
  }
}

module attributes {stable_mosaic.version = 14 : i64} {
  func.func @_epilogue_body(%arg0: memref<61440xf32, #tpu.memory_space<any>>, %arg1: memref<1x2xf32, #tpu.memory_space<smem>>, %arg2: memref<2x10000xf32, #tpu.memory_space<vmem>>, %arg3: memref<61440xf32, #tpu.memory_space<vmem>>) attributes {dimension_semantics = [], scalar_prefetch = 0 : i64, scratch_operands = 1 : i64, tpu.core_type = #tpu.core_type<tc>} {
    "tpu.region"() ({
      %run_scoped3A = tpu.sem_alloc : memref<!tpu.dma_semaphore, #tpu.memory_space<semaphore_mem>>
      tpu.enqueue_dma source(%arg0 : memref<61440xf32, #tpu.memory_space<any>>) target(%arg3 : memref<61440xf32, #tpu.memory_space<vmem>>) target_semaphore(%run_scoped3A : memref<!tpu.dma_semaphore, #tpu.memory_space<semaphore_mem>>)
      tpu.wait_dma2 semaphore(%run_scoped3A : memref<!tpu.dma_semaphore, #tpu.memory_space<semaphore_mem>>) src(%arg0 : memref<61440xf32, #tpu.memory_space<any>>) dst(%arg3 : memref<61440xf32, #tpu.memory_space<vmem>>)
      tpu.yield
    }) : () -> ()
    %get3A = arith.constant 0 : index
    %get3A_0 = vector.load %arg3[%get3A] : memref<61440xf32, #tpu.memory_space<vmem>>, vector<61440xf32>
    %slice3A = vector.extract_strided_slice %get3A_0 {offsets = [0], sizes = [30720], strides = [1]} : vector<61440xf32> to vector<30720xf32>
    %slice3A_1 = vector.extract_strided_slice %get3A_0 {offsets = [30720], sizes = [30720], strides = [1]} : vector<61440xf32> to vector<30720xf32>
    %add3A = arith.addf %slice3A, %slice3A_1 : vector<30720xf32>
    %slice3A_2 = vector.extract_strided_slice %add3A {offsets = [0], sizes = [10000], strides = [1]} : vector<30720xf32> to vector<10000xf32>
    %slice3A_3 = vector.extract_strided_slice %add3A {offsets = [10240], sizes = [10000], strides = [1]} : vector<30720xf32> to vector<10000xf32>
    %slice3A_4 = vector.extract_strided_slice %add3A {offsets = [20480], sizes = [10000], strides = [1]} : vector<30720xf32> to vector<10000xf32>
    %add3A_5 = arith.constant 1.000000e-16 : f32
    %add3A_6 = vector.broadcast %add3A_5 : f32 to vector<10000xf32>
    %add3A_7 = arith.addf %slice3A_2, %add3A_6 : vector<10000xf32>
    %div3A = arith.constant 1.000000e+00 : f32
    %div3A_8 = vector.broadcast %div3A : f32 to vector<10000xf32>
    %div3A_9 = arith.divf %div3A_8, %add3A_7 : vector<10000xf32>
    %mul3A = arith.mulf %slice3A_3, %div3A_9 : vector<10000xf32>
    %get3A_10 = arith.constant 0 : index
    %get3A_11 = arith.constant 0 : index
    %get3A_12 = memref.load %arg1[%get3A_10, %get3A_11] : memref<1x2xf32, #tpu.memory_space<smem>>
    %add3A_13 = vector.broadcast %get3A_12 : f32 to vector<10000xf32>
    %add3A_14 = arith.addf %mul3A, %add3A_13 : vector<10000xf32>
    %broadcast_in_dim3A = vector.shape_cast %add3A_14 : vector<10000xf32> to vector<1x10000xf32>
    %mul3A_15 = arith.mulf %slice3A_4, %div3A_9 : vector<10000xf32>
    %get3A_16 = arith.constant 0 : index
    %get3A_17 = arith.constant 1 : index
    %get3A_18 = memref.load %arg1[%get3A_16, %get3A_17] : memref<1x2xf32, #tpu.memory_space<smem>>
    %add3A_19 = vector.broadcast %get3A_18 : f32 to vector<10000xf32>
    %add3A_20 = arith.addf %mul3A_15, %add3A_19 : vector<10000xf32>
    %broadcast_in_dim3A_21 = vector.shape_cast %add3A_20 : vector<10000xf32> to vector<1x10000xf32>
    %concatenate3A = tpu.concatenate %broadcast_in_dim3A, %broadcast_in_dim3A_21 in 0 : vector<1x10000xf32>, vector<1x10000xf32> -> vector<2x10000xf32>
    %swap3A = arith.constant 0 : index
    %swap3A_22 = arith.constant 0 : index
    %swap3A_23 = vector.load %arg2[%swap3A, %swap3A_22] : memref<2x10000xf32, #tpu.memory_space<vmem>>, vector<2x10000xf32>
    tpu.vector_store %arg2[%swap3A, %swap3A_22], %concatenate3A {strides = array<i32>} : memref<2x10000xf32, #tpu.memory_space<vmem>>, vector<2x10000xf32>,
    return
  }
}

</mosaic_0001>

<sc_bundles>
// kernel: kernel.5.cloned.1.call-start
scs
__scs_entry_jumppad:
0x0: {  	(pc) =	sbr.rel $0x88, $3  }
0x1: {  	(tag) =	ssettag $0x0;
	lr =	simm.s32 $0x1  }
0x2: {  	[smem:$0x3F9B] =	sst lr;
	_ =	strace $0xD0000000  }
0x3: {  	_ = 	snop  }
0x4: {  	_ = 	snop  }
0x5: {  	_ = 	snop  }
0x6: {  	_ = 	snop  }
0x7: {  	_ = 	snop  }
__scs_overlays_trampoline_lowered:
0x8: {  	[smem:$0x3FAA] =	sst s0  }
0x9: {  	[smem:$0x3FAB] =	sst s1  }
0xa: {  	[smem:$0x3FAC] =	sst s2  }
0xb: {  	[smem:$0x3FAD] =	sst s3  }
0xc: {  	[smem:$0x3FAE] =	sst s4  }
0xd: {  	[smem:$0x3FAF] =	sst s5  }
0xe: {  	[smem:$0x3FB0] =	sst s6  }
0xf: {  	[smem:$0x3FB1] =	sst s7  }
0x10: {  	[smem:$0x3FB2] =	sst s8  }
0x11: {  	[smem:$0x3FB3] =	sst s9;
	s0 =	simm.s32 @!p0 $0x0  }
0x12: {  	s1 =	sld [smem:$0x3F99];
	s0 =	simm.s32 @p0 $0x1  }
0x13: {  	[smem:$0x3FB4] =	sst s0;
	s0 =	simm.s32 @!p1 $0x0  }
0x14: {  	s2 =	sld [smem:$0x3F98];
	s0 =	simm.s32 @p1 $0x1  }
0x15: {  	[smem:$0x3FB5] =	sst s0;
	s0 =	simm.s32 @!p2 $0x0  }
0x16: {  	s3 =	sld [smem:$0x3FDB];
	s0 =	simm.s32 @p2 $0x1  }
0x17: {  	s4 =	simm.s32 $0x1BF5;
	[smem:$0x3FB7] =	sst s0  }
0x18: {  	s0 =	sld [smem:$0x3F9A];
	_ =	swait.ge [sflag:s4], $0x0  }
0x19: {  	s7 =	sld [smem:$0x3F9B]  }
0x1a: {  	s8 =	sadd.s32 $0xFFFFE003, lr  }
0x1b: {  	s9 =	sadd.s32 $0xFFFFFEF7, lr;
	s5 =	simm.s32 $0xFFFFFFFF;
	p2 =	slt.u32 s8, $0xFFFFF086  }
0x1c: {  	p1 =	slt.u32 s9, $0xF7A;
	s5 =	simm.s32 @!p2 $0x0  }
0x1d: {  	s5 =	simm.s32 @p1 $0x1;
	p0 =	seq.s32 s7, s2  }
0x1e: {  	s7 =	smul.u32 @!p0 $0xF7A, s2;
	p2 =	seq.s32 @!p0 s5, $0x0  }
0x1f: {  	s9 =	smul.u32 $0xF7A, s1;
	s8 =	simm.s32 @!p0 $0x1BF5;
	p2 =	por !p2, p0  }
0x20: {  	[sflag:s8] =	ssyncset.s32 @!p0 $0xFFFFF086;
	s6 =	sadd.s32 @!p0 s3, s7;
	s7 =	simm.s32 @!p0 $0x108  }
0x21: {  	s3 =	sadd.s32 s3, s9;
	s6 =	sadd.s32 @!p0 $0x88, s6;
	s7 =	simm.s32 @p2 $0x1082  }
0x22: {  	[simem:s7], [sflag:s8] =	dma.local @!p0 [hbm:s6], $0xF7A  }
0x23: {  	s9 =	sor.u32 $0xD0000000, s2;
	s6 =	simm.s32 $0x108;
	_ =	swait.ge @!p0 [sflag:s8], $0x0  }
0x24: {  	s3 =	sadd.s32 $0x88, s3;
	s6 =	simm.s32 @!p1 $0x1082;
	[sflag:s4] =	ssyncset.s32 $0xFFFFF086  }
0x25: {  	[simem:s6], [sflag:s4] =	dma.local [hbm:s3], $0xF7A  }
0x26: {  	[smem:$0x3F9B] =	sst s1;
	(tag) =	ssettag s2;
	_ =	strace s9  }
0x27: {  	s1 =	sld [smem:$0x3FAB]  }
0x28: {  	s2 =	sld [smem:$0x3FAC]  }
0x29: {  	s4 =	sld [smem:$0x3FAE]  }
0x2a: {  	p0 =	seq.s32 s5, $0x0;
	s5 =	sld [smem:$0x3FAF]  }
0x2b: {  	s6 =	sld [smem:$0x3FB0]  }
0x2c: {  	s7 =	sld [smem:$0x3FB1]  }
0x2d: {  	s3 =	simm.s32 $0x108;
	s8 =	sld [smem:$0x3FB2]  }
0x2e: {  	s3 =	simm.s32 @!p0 $0x1082;
	s9 =	sld [smem:$0x3FB3]  }
0x2f: {  	lr =	sadd.s32 s0, s3;
	s0 =	sld [smem:$0x3FAA]  }
0x30: {  	s3 =	sld [smem:$0x3FAD]  }
0x31: {  	[smem:$0x3FB6] =	sst s10  }
0x32: {  	s10 =	sld [smem:$0x3FB4];
	_ =	sdelay $0x3  }
0x33: {  	p0 =	seq.s32 s10, $0x1;
	s10 =	sld [smem:$0x3FB6];
	_ =	sdelay $0x3  }
0x34: {  	[smem:$0x3FB6] =	sst s10  }
0x35: {  	s10 =	sld [smem:$0x3FB5];
	_ =	sdelay $0x3  }
0x36: {  	p1 =	seq.s32 s10, $0x1;
	s10 =	sld [smem:$0x3FB6];
	_ =	sdelay $0x3  }
0x37: {  	[smem:$0x3FB6] =	sst s10  }
0x38: {  	s10 =	sld [smem:$0x3FB7]  }
0x39: {  	_ = 	snop;
	(pc) =	sbr.ind lr, $3  }
0x3a: {  	_ = 	snop  }
0x3b: {  	_ = 	snop  }
0x3c: {  	p2 =	seq.s32 s10, $0x1;
	s10 =	sld [smem:$0x3FB6]  }
0x3d: {  	_ =	shalt  }
0x3e: {  	_ =	shalt  }
0x3f: {  	_ =	shalt  }
0x40: {  	_ =	shalt  }
0x41: {  	_ =	shalt  }
0x42: {  	_ =	shalt  }
0x43: {  	_ =	shalt  }
0x44: {  	_ =	shalt  }
0x45: {  	_ =	shalt  }
0x46: {  	_ =	shalt  }
0x47: {  	_ =	shalt  }
0x48: {  	_ =	shalt  }
0x49: {  	_ =	shalt  }
0x4a: {  	_ =	shalt  }
0x4b: {  	_ =	shalt  }
0x4c: {  	_ =	shalt  }
0x4d: {  	_ =	shalt  }
0x4e: {  	_ =	shalt  }
0x4f: {  	_ =	shalt  }
0x50: {  	_ =	shalt  }
0x51: {  	_ =	shalt  }
0x52: {  	_ =	shalt  }
0x53: {  	_ =	shalt  }
0x54: {  	_ =	shalt  }
0x55: {  	_ =	shalt  }
0x56: {  	_ =	shalt  }
0x57: {  	_ =	shalt  }
0x58: {  	_ =	shalt  }
0x59: {  	_ =	shalt  }
0x5a: {  	_ =	shalt  }
0x5b: {  	_ =	shalt  }
0x5c: {  	_ =	shalt  }
0x5d: {  	_ =	shalt  }
0x5e: {  	_ =	shalt  }
0x5f: {  	_ =	shalt  }
0x60: {  	_ =	shalt  }
0x61: {  	_ =	shalt  }
0x62: {  	_ =	shalt  }
0x63: {  	_ =	shalt  }
0x64: {  	_ =	shalt  }
0x65: {  	_ =	shalt  }
0x66: {  	_ =	shalt  }
0x67: {  	_ =	shalt  }
0x68: {  	_ =	shalt  }
0x69: {  	_ =	shalt  }
0x6a: {  	_ =	shalt  }
0x6b: {  	_ =	shalt  }
0x6c: {  	_ =	shalt  }
0x6d: {  	_ =	shalt  }
0x6e: {  	_ =	shalt  }
0x6f: {  	_ =	shalt  }
0x70: {  	_ =	shalt  }
0x71: {  	_ =	shalt  }
0x72: {  	_ =	shalt  }
0x73: {  	_ =	shalt  }
0x74: {  	_ =	shalt  }
0x75: {  	_ =	shalt  }
0x76: {  	_ =	shalt  }
0x77: {  	_ =	shalt  }
0x78: {  	_ =	shalt  }
0x79: {  	_ =	shalt  }
0x7a: {  	_ =	shalt  }
0x7b: {  	_ =	shalt  }
0x7c: {  	_ =	shalt  }
0x7d: {  	_ =	shalt  }
0x7e: {  	_ =	shalt  }
0x7f: {  	_ =	shalt  }
0x80: {  	_ =	shalt  }
0x81: {  	_ =	shalt  }
0x82: {  	_ =	shalt  }
0x83: {  	_ =	shalt  }
0x84: {  	_ =	shalt  }
0x85: {  	_ =	shalt  }
0x86: {  	_ =	shalt  }
0x87: {  	_ =	shalt  }
.Lfunc_end0:
.L_simem_size_0:
called_computation_lowered:
.L_overlay_start_0:
0x88: {  	s2 =	sld [smem:$0x3FD9]  }
0x89: {  	s3 =	sld [smem:$0x3FFE];
	_ =	sdelay $0x1  }
0x8a: {  	s1 =	srdreg.scid  }
0x8b: {  	s0 =	sand.u32 $0x1, s1  }
0x8c: {  	s17 =	sshll.u32 s0, $0xA;
	s2 =	sadd.s32 s3, s2  }
0x8d: {  	s2 =	sadd.s32 s2, s17  }
0x8e: {  	[smem:$0x3FC2] =	sst s2  }
0x8f: {  	_ = 	snop  }
0x90: {  	s2 =	sld [smem:$0x3FD0];
	(tm) =	ssettm $0x1  }
0x91: {  	s18 =	sld [smem:$0x3FFB];
	_ =	sdelay $0x3  }
0x92: {  	_ =	strace s18  }
0x93: {  	s3 =	sld [smem:$0x3FFC];
	_ =	sdelay $0x3  }
0x94: {  	_ =	strace s3  }
0x95: {  	s3 =	sld [smem:$0x3FFD];
	_ =	sdelay $0x3  }
0x96: {  	_ =	strace s3  }
0x97: {  	_ =	strace $0x8FFFFFFF  }
0x98: {  	s19 =	sld [smem:$0x3FDB];
	_ =	sdelay $0x1  }
0x99: {  	s4 =	simm.s32 $_scs_section_size  }
0x9a: {  	s5 =	simm.s32 $_size__tile_overlayer_lowered;
	s6 =	simm.s32 $_tile_overlayer_lowered  }
0x9b: {  	s22 =	simm.s32 $0x1BFF;
	s21 =	sshll.u32 s6, $0x1;
	s3 =	sadd.s32 s4, s19  }
0x9c: {  	s7 =	simm.s32 $0x0;
	s20 =	sshll.u32 s5, $0x1;
	s5 =	sadd.s32 s21, s3  }
0x9d: {  	[timem:s7], [sflag:s22] =	dma.local [hbm:s5], s20  }
0x9e: {  	_ =	swait.ge [sflag:s22], s20  }
0x9f: {  	s4 =	ssub.s32 $0x0, s20;
	[sflag:s22] =	ssyncset.done $0x0  }
0xa0: {  	[sflag:s22] =	ssyncadd.s32 s4;
	_ =	sdelay $0x1  }
0xa1: {  	s23 =	simm.s32 $0x1B8B  }
0xa2: {  	_ =	swait.ge [sflag:s23], $0x1  }
0xa3: {  	[sflag:s23] =	ssyncset.done $0x0  }
0xa4: {  	s25 =	simm.s32 $0x1B8E;
	s24 =	sld [smem:$0x3FFE];
	[sflag:s23] =	ssyncadd.s32 $0xFFFFFFFF  }
0xa5: {  	s26 =	simm.s32 $execute0_lowered;
	[smem:$0x3FD2] =	sst s25  }
0xa6: {  	s5 =	sshll.u32 s26, $0x1;
	_ =	strace $0x80000046;
	[dreg:$0x1] =	wrdreg $0xFFFFFFFF  }
0xa7: {  	s28 =	simm.s32 $_size_execute0_lowered;
	s3 =	sadd.s32 s3, s5;
	[dreg:$0x0] =	wrdreg $0x0  }
0xa8: {  	s5 =	sshll.u32 s28, $0x1;
	[dreg:$0x2] =	wrdreg s3  }
0xa9: {  	[dreg:$0x3] =	wrdreg s5  }
0xaa: {  	[dreg:$0x4] =	wrdreg $0xC0  }
0xab: {  	_ =	task [dreg:s7], $0x5FFFF  }
0xac: {  	[dreg:$0x1] =	wrdreg $0xFFFFFFFF  }
0xad: {  	[dreg:$0x0] =	wrdreg $0x60  }
0xae: {  	[dreg:$0x2] =	wrdreg s2  }
0xaf: {  	[dreg:$0x3] =	wrdreg s24  }
0xb0: {  	[dreg:$0x4] =	wrdreg $0x162780  }
0xb1: {  	[dreg:$0x5] =	wrdreg $0x169F80  }
0xb2: {  	[dreg:$0x6] =	wrdreg $0x9  }
0xb3: {  	_ =	task.clear_ibuf [dreg:s7], $0x7FFFF;
	_ =	strace $0x90000046  }
0xb4: {  	s29 =	simm.s32 $0x9;
	_ =	strace $0x8000004D  }
0xb5: {  	_ =	swait.ge [sflag:s29], $0x1  }
0xb6: {  	[sflag:s29] =	ssyncadd.s32 $0xFFFFFFFF  }
0xb7: {  	_ =	strace $0x9000004D  }
0xb8: {  	_ =	sfence  }
0xb9: {  	s30 =	sld [smem:$0x0];
	_ =	sdelay $0x2  }
0xba: {  	s31 =	sshll.u32 s1, $0xD;
	s1 =	sshrl.u32 s1, $0x2  }
0xbb: {  	s3 =	sand.u32 $0x4000, s31;
	s1 =	sadd.s32 s1, s30  }
0xbc: {  	s0 =	sor.u32 s3, s0;
	s1 =	sshll.u32 s1, $0x11  }
0xbd: {  	s0 =	sor.u32 s1, s0  }
0xbe: {  	s0 =	sadd.s32 $0x8F2B, s0  }
0xbf: {  	[sflag:s0] =	ssyncadd.remote.s32 $0x1  }
0xc0: {  	_ =	sfence.sel $0xFFFF  }
0xc1: {  	[dreg:$0x0] =	wrdreg $0xFFFFFFFF;
	(pc) =	sbr.abs _section_cstart, $3  }
0xc2: {  	[dreg:$0x1] =	wrdreg $0xFFFFFFFF  }
0xc3: {  	_ =	task.clear_ibuf [dreg:s7], $0x2FFFF;
	_ =	strace $0x9FFFFFFF  }
0xc4: {  	(tm) =	ssettm $0x7FFFFFFF  }
0xc5: {  	_ =	shalt  }
tec
execute0_lowered:
.L_overlay_start_1:
0x0: {  	(tag) =	ssettag $0x1  }
0x1: {  	s1 =	rddreg [dreg:$0x1]  }
0x2: {  	s3 =	rddreg [dreg:$0x2]  }
0x3: {  	s2 =	srdreg.scid;
	s0 =	stileid.u32  }
0x4: {  	s4 =	rddreg [dreg:$0x3];
	s5 =	simm.s32 $0x0;
	s28 =	simm.s32 $0xEA70  }
0x5: {  	s29 =	simm.s32 $0x3;
	s30 =	simm.s32 $0x2;
	s31 =	simm.s32 $0x5  }
0x6: {  	s2 =	sand.u32 $0x1, s2;
	s6 =	sshll.u32 s0, $0x1;
	[smem:$0x7FF] =	sst s5  }
0x7: {  	s7 =	sadd.s32 $0x16A00, s1;
	s15 =	smul.u32 $0x280, s0;
	s8 =	sadd.s32 $0x15E00, s1  }
0x8: {  	s9 =	sadd.s32 $0x17000, s1;
	s18 =	sadd.s32 $0x7530, s4;
	s19 =	smul.u32 $0xA00, s0  }
0x9: {  	s20 =	sadd.s32 $0x4E20, s4;
	s21 =	sadd.s32 $0x2710, s4;
	s11 =	smul.u32 $0x7800, s2  }
0xa: {  	p4 =	sgt.s32 s0, $0x1;
	s6 =	sor.u32 s2, s6;
	s17 =	smul.u32 $0xFFFFFEC0, s2  }
0xb: {  	_ =	strace $0x80000047;
	s14 =	ssub.s32 $0x2, s2;
	s2 =	smul.u32 $0x500, s2  }
0xc: {  	p2 =	seq.s32 @p4 s0, $0x2;
	p6 =	seq.s32 @!p4 s0, $0x0;
	s10 =	smul.u32 $0x4E2, s6  }
0xd: {  	s6 =	sadd.s32 $0x16400, s1;
	s16 =	sshrl.u32 s14, $0x1;
	s24 =	sadd.s32 s15, s3  }
0xe: {  	p1 =	por p2, !p4;
	p0 =	por !p2, !p4;
	s12 =	sadd.s32 s15, s11  }
0xf: {  	s11 =	sadd.s32 $0x17400, s1;
	s16 =	ssub.s32 s14, s16;
	s26 =	ssub.s32 s17, s15  }
0x10: {  	s2 =	sadd.s32 s2, s19;
	p3 =	seq.s32 @!p1 s0, $0x3;
	s19 =	simm.s32 $0x16270  }
0x11: {  	s21 =	sshrl.u32 @!p0 s21, $0x3;
	s24 =	sshrl.u32 s24, $0x3;
	s13 =	sadd.s32 s10, s1  }
0x12: {  	s10 =	sadd.s32 $0x17200, s1;
	s12 =	sshrl.u32 s12, $0x3;
	s15 =	smax.u32 s16, $0x1  }
0x13: {  	s2 =	sshrl.u32 s2, $0x2;
	p5 =	por @p4 p3, p2;
	s1 =	sadd.s32 s12, s1  }
0x14: {  	s12 =	sadd.s32 $0x2200, s13;
	s13 =	sadd.s32 $0xC000, s13;
	s17 =	sadd.s32 $0xEA70, s2  }
0x15: {  	p5 =	por p5, !p4;
	v0 =	vmov s2;
	s2 =	simm.s32 $0x500;
	s14 =	sadd.s32 $0x18400, s1  }
0x16: {  	s1 =	sadd.s32 $0x2710, s26;
	p5 =	seq.s32 @!p5 s0, $0x4;
	s26 =	simm.s32 $0x1  }
0x17: {  	s1 =	smin.u32 s1, $0x140;
	p5 =	por @!p1 !p5, p3;
	p1 =	por @p4 !p3, p2  }
0x18: {  	p3 =	por p6, p4;
	s16 =	sshll.u32 s1, $0x2;
	p1 =	por p1, !p4  }
0x19: {  	p2 =	por @p4 p5, p2;
	p3 =	seq.s32 @!p3 s0, $0x1;
	s1 =	simm.s32 $0x0  }
0x1a: {  	s22 =	sshrl.u32 @!p1 s20, $0x3;
	p2 =	por p2, !p4;
	p5 =	por @!p4 !p3, p6  }
0x1b: {  	v1 =	vimm.f32 $0.0e+00;
	p3 =	por !p6, p4;
	s23 =	sshrl.u32 @!p2 s18, $0x3;
	p4 =	por p5, p4  }
.LBB2_1:
0x1c: {  	_ =	strace $0x80000048;
	s18 =	simm.s32 $0x9C40  }
0x1d: {  	[tilespmem:s18], [sflag:$0x1] =	stream.linear.gather [hbm4b:s9+s5], $0x10, $0x200038;
	[tilespmem:$0x173C0] =	vst v63  }
0x1e: {  	_ = 	snop  }
0x1f: {  	[tilespmem:s19], [sflag:$0x1] =	stream.linear.gather [hbm4b:s10+s5], $0x8, $0x200038;
	[tilespmem:$0x173C0] =	vst v63  }
0x20: {  	s20 =	simm.s32 $0x9C50  }
0x21: {  	[tilespmem:s20], [sflag:$0x1] =	stream.linear.gather [hbm4b:s12+s5], $0x2710, $0x200038;
	[tilespmem:$0x173C0] =	vst v63  }
0x22: {  	s25 =	simm.s32 $0xC360;
	s18 =	simm.s32 @!p0 $0x1C82  }
0x23: {  	[tilespmem:s25], [sflag:$0x1] =	stream.linear.gather [hbm4b:s13+s5], $0x2710, $0x200038;
	[tilespmem:$0x173C0] =	vst v63  }
0x24: {  	[spmem:s21], [sflag:s18] =	dma.local @!p0 [hbm:s6], $0x4E2  }
0x25: {  	s18 =	simm.s32 @!p0 $0x2  }
0x26: {  	_ =	swait.ge @!p0 [sflag:s18], $0x4E2  }
0x27: {  	[sflag:s18] =	ssyncset.done @!p0 $0x0  }
0x28: {  	[sflag:s18] =	ssyncadd.s32 @!p0 $0xFFFFFB1E;
	s18 =	simm.s32 @!p1 $0x1CC2  }
0x29: {  	[spmem:s22], [sflag:s18] =	dma.local @!p1 [hbm:s7], $0x4E2  }
0x2a: {  	s18 =	simm.s32 @!p1 $0x2  }
0x2b: {  	_ =	swait.ge @!p1 [sflag:s18], $0x4E2  }
0x2c: {  	[sflag:s18] =	ssyncset.done @!p1 $0x0  }
0x2d: {  	[sflag:s18] =	ssyncadd.s32 @!p1 $0xFFFFFB1E;
	s18 =	simm.s32 @!p2 $0x1D02  }
0x2e: {  	[spmem:s23], [sflag:s18] =	dma.local @!p2 [hbm:s8], $0x4E2  }
0x2f: {  	s18 =	simm.s32 @!p2 $0x2  }
0x30: {  	_ =	swait.ge @!p2 [sflag:s18], $0x4E2  }
0x31: {  	[sflag:s18] =	ssyncset.done @!p2 $0x0  }
0x32: {  	s20 =	simm.s32 @!p3 $0x1C02;
	[sflag:s18] =	ssyncadd.s32 @!p2 $0xFFFFFB1E;
	s18 =	sshrl.u32 @!p3 s3, $0x3  }
0x33: {  	[spmem:s18], [sflag:s20] =	dma.local @!p3 [hbm:s11], $0xF00  }
0x34: {  	s18 =	simm.s32 @!p3 $0x2  }
0x35: {  	_ =	swait.ge @!p3 [sflag:s18], $0xF00  }
0x36: {  	[sflag:s18] =	ssyncset.done @!p3 $0x0  }
0x37: {  	[sflag:s18] =	ssyncadd.s32 @!p3 $0xFFFFF100  }
0x38: {  	s20 =	simm.s32 @!p4 $0x1C42;
	s18 =	sshrl.u32 @!p4 s4, $0x3;
	s25 =	rddreg [dreg:$0x0]  }
0x39: {  	[spmem:s18], [sflag:s20] =	dma.local @!p4 [hbm:s25], $0x4E2  }
0x3a: {  	s18 =	simm.s32 @!p4 $0x2  }
0x3b: {  	_ =	swait.ge @!p4 [sflag:s18], $0x4E2  }
0x3c: {  	[sflag:s18] =	ssyncset.done @!p4 $0x0  }
0x3d: {  	[sflag:s18] =	ssyncadd.s32 @!p4 $0xFFFFFB1E  }
0x3e: {  	[bflag:$0x0] =	sbarrier.arrive $0xFFFF  }
0x3f: {  	[tilespmem:s5], [sflag:$0x1] =	stream.linear.gather [spmem:s4], $0x9C40, $0x200038;
	[tilespmem:$0x173C0] =	vst v63  }
0x40: {  	[tilespmem:s28+$0x0] =	vst v1  }
0x41: {  	[tilespmem:s28+$0x5030] =	vst v1  }
0x42: {  	[tilespmem:s28+$0x2830] =	vst v1  }
0x43: {  	[tilespmem:s28+$0x30] =	vst v1  }
0x44: {  	[tilespmem:s28+$0x5020] =	vst v1  }
0x45: {  	[tilespmem:s28+$0x2820] =	vst v1  }
0x46: {  	[tilespmem:s28+$0x20] =	vst v1  }
0x47: {  	[tilespmem:s28+$0x5010] =	vst v1  }
0x48: {  	[tilespmem:s28+$0x2810] =	vst v1  }
0x49: {  	[tilespmem:s28+$0x10] =	vst v1  }
0x4a: {  	s20 =	simm.s32 $0xEA70;
	s18 =	simm.s32 $0x0;
	[tilespmem:s28+$0x5000] =	vst v1  }
.LBB2_2:
0x4b: {  	s18 =	sadd.s32 $0x4, s18;
	[tilespmem:s20+$0x2800] =	vst v1;
	s20 =	sadd.s32 $0x40, s20  }
0x4c: {  	[tilespmem:s20+$0x0] =	vst v1;
	p5 =	slt.u32 s18, $0x27C  }
0x4d: {  	[tilespmem:s20+$0x5030] =	vst v1  }
0x4e: {  	[tilespmem:s20+$0x2830] =	vst v1  }
0x4f: {  	[tilespmem:s20+$0x30] =	vst v1  }
0x50: {  	[tilespmem:s20+$0x5020] =	vst v1  }
0x51: {  	[tilespmem:s20+$0x2820] =	vst v1  }
.Ltmp0:
0x52: {  	[tilespmem:s20+$0x20] =	vst v1;
	(pc) =	sbr.rel @p5 .LBB2_2-.Ltmp0, $4  }
0x53: {  	[tilespmem:s20+$0x5010] =	vst v1  }
0x54: {  	[tilespmem:s20+$0x2810] =	vst v1  }
0x55: {  	[tilespmem:s20+$0x10] =	vst v1  }
0x56: {  	[tilespmem:s20+$0x5000] =	vst v1  }
0x57: {  	[tilespmem:s20+$0x2800] =	vst v1  }
0x58: {  	_ =	swait.ge [sflag:s26], $0x9C40  }
0x59: {  	[sflag:s26] =	ssyncset.done $0x0  }
0x5a: {  	[sflag:s26] =	ssyncadd.s32 $0xFFFF63C0  }
0x5b: {  	_ =	swait.ge [sflag:s26], $0x10  }
0x5c: {  	[sflag:s26] =	ssyncset.done $0x0  }
0x5d: {  	[sflag:s26] =	ssyncadd.s32 $0xFFFFFFF0  }
0x5e: {  	_ =	swait.ge [sflag:s26], $0x8  }
0x5f: {  	[sflag:s26] =	ssyncset.done $0x0  }
0x60: {  	[sflag:s26] =	ssyncadd.s32 $0xFFFFFFF8  }
0x61: {  	_ =	swait.ge [sflag:s26], $0x2710  }
0x62: {  	[sflag:s26] =	ssyncset.done $0x0  }
0x63: {  	[sflag:s26] =	ssyncadd.s32 $0xFFFFD8F0  }
0x64: {  	_ =	swait.ge [sflag:s26], $0x2710  }
0x65: {  	[sflag:s26] =	ssyncset.done $0x0  }
0x66: {  	[sflag:s26] =	ssyncadd.s32 $0xFFFFD8F0  }
0x67: {  	_ =	strace $0x90000048  }
0x68: {  	s25 =	simm.s32 $0xC380;
	v2 =	vld [tilespmem:$0x9C40];
	_ =	strace $0x80000049  }
0x69: {  	s18 =	simm.s32 $0x9C70;
	v4 =	vld [tilespmem:s25+$0x20]  }
0x6a: {  	v5 =	vld [tilespmem:s18+$0x20]  }
0x6b: {  	v10 =	vld [tilespmem:s25+$0xFFFFFFF0]  }
0x6c: {  	v11 =	vld [tilespmem:s25+$0x0]  }
0x6d: {  	v7 =	vld [tilespmem:s18+$0xFFFFFFF0]  }
0x6e: {  	v18 =	vld [tilespmem:s18+$0xFFFFFFE0]  }
0x6f: {  	v14 =	vld [tilespmem:s18+$0x10];
	v6 =	vadd.s32 $0x2710, v4  }
0x70: {  	v13 =	vld [tilespmem:s25+$0xFFFFFFE0]  }
0x71: {  	v3 =	vld [tilespmem:s25+$0x10]  }
0x72: {  	v9 =	vld [tilespmem:s18+$0x0]  }
0x73: {  	v12 =	vadd.s32 $0x2710, v10;
	v16 =	vld.idx.msk [tilespmem:v5+s5+$0x0], $0xffff  }
0x74: {  	v15 =	vadd.s32 $0x2710, v11;
	v6 =	vld.idx.msk [tilespmem:v6+s5+$0x0], $0xffff  }
0x75: {  	v19 =	vld.idx.msk [tilespmem:v7+s5+$0x0], $0xffff  }
0x76: {  	v8 =	vadd.s32 $0x2710, v13;
	v21 =	vld.idx.msk [tilespmem:v18+s5+$0x0], $0xffff  }
0x77: {  	v17 =	vadd.s32 $0x2710, v3;
	v22 =	vld.idx.msk [tilespmem:v14+s5+$0x0], $0xffff  }
0x78: {  	v12 =	vld.idx.msk [tilespmem:v12+s5+$0x0], $0xffff  }
0x79: {  	v15 =	vld.idx.msk [tilespmem:v15+s5+$0x0], $0xffff;
	v6 =	vadd.f32 v6, v16  }
0x7a: {  	v16 =	vld.idx.msk [tilespmem:v9+s5+$0x0], $0xffff  }
0x7b: {  	v8 =	vld.idx.msk [tilespmem:v8+s5+$0x0], $0xffff;
	v20 =	vmul.f32 $2.000000030e-01, v6  }
0x7c: {  	v17 =	vld.idx.msk [tilespmem:v17+s5+$0x0], $0xffff  }
0x7d: {  	v23 =	vadd.s32 $0x4E20, v7;
	v60 =	vadd.s32 $0x4E20, v5;
	v6 =	vmax.f32 v6, v20  }
0x7e: {  	v7 =	vadd.s32 $0x7530, v7;
	v12 =	vadd.f32 v12, v19;
	v6 =	vsub.f32 v6, v2  }
0x7f: {  	v5 =	vadd.s32 $0x7530, v5;
	v19 =	vadd.s32 $0x4E20, v18;
	v15 =	vadd.f32 v15, v16  }
0x80: {  	v8 =	vadd.f32 v8, v21;
	v16 =	vmul.f32 $2.000000030e-01, v12;
	v6 =	vmul.f32 $1.442695020e+00, v6  }
0x81: {  	v18 =	vadd.s32 $0x7530, v18;
	v17 =	vadd.f32 v17, v22;
	v61 =	vmul.f32 $2.000000030e-01, v15  }
0x82: {  	(erf) = vpow2.f32 v6;
	v6 =	vmax.f32 v12, v16;
	v12 =	vmul.f32 $2.000000030e-01, v8  }
0x83: {  	v16 =	vmul.f32 $2.000000030e-01, v17;
	v6 =	vsub.f32 v6, v2  }
0x84: {  	v59 =	vadd.s32 $0x4E20, v9;
	v15 =	vmax.f32 v15, v61;
	v8 =	vmax.f32 v8, v12  }
0x85: {  	v5 =	vld.idx.msk [tilespmem:v5+s5+$0x0], $0xffff;
	v12 =	vsub.f32 v15, v2;
	v15 =	vmax.f32 v17, v16;
	v6 =	vmul.f32 $1.442695020e+00, v6  }
0x86: {  	v9 =	vadd.s32 $0x7530, v9;
	v16 =	vld.idx.msk [tilespmem:v18+s5+$0x0], $0xffff;
	v8 =	vsub.f32 v8, v2;
	v15 =	vsub.f32 v15, v2  }
0x87: {  	v18 =	vld.idx.msk [tilespmem:v7+s5+$0x0], $0xffff;
	v12 =	vmul.f32 $1.442695020e+00, v12;
	(erf) = vpow2.f32 v6;
	v6 =	vadd.s32 $0x7530, v14  }
0x88: {  	v17 =	vadd.s32 $0x4E20, v14;
	v7 =	vmul.f32 $1.442695020e+00, v8;
	v8 =	vld.idx.msk [tilespmem:v60+s5+$0x0], $0xffff;
	v14 =	vmul.f32 $1.442695020e+00, v15  }
0x89: {  	v62 =	vld.idx.msk [tilespmem:v23+s5+$0x0], $0xffff;
	(erf) = vpow2.f32 v12  }
0x8a: {  	v19 =	vld.idx.msk [tilespmem:v19+s5+$0x0], $0xffff;
	(erf) = vpow2.f32 v7  }
0x8b: {  	v63 =	vld.idx.msk [tilespmem:v9+s5+$0x0], $0xffff;
	v7 =	vadd.s32 $0x2800, v4;
	(erf) = vpow2.f32 v14  }
0x8c: {  	v9 =	vadd.s32 $0x5000, v4;
	v14 =	vpop (erf);
	v26 =	vld.idx.msk [tilespmem:v6+s5+$0x0], $0xffff  }
0x8d: {  	v6 =	vmul.f32 v14, v8;
	[tilespmem:v4+s28+$0x0] =	vst.idx.add.f32.msk $0xffff, v14;
	v14 =	vmul.f32 v14, v5  }
0x8e: {  	v12 =	vld.idx.msk [tilespmem:v59+s5+$0x0], $0xffff  }
0x8f: {  	v25 =	vld.idx.msk [tilespmem:v17+s5+$0x0], $0xffff  }
0x90: {  	v4 =	vadd.s32 $0x2800, v13;
	v5 =	vadd.s32 $0x5000, v13;
	[tilespmem:v7+s28+$0x0] =	vst.idx.add.f32.msk $0xffff, v6  }
0x91: {  	v8 =	vadd.s32 $0x2800, v11;
	v6 =	vadd.s32 $0x2800, v10;
	v7 =	vadd.s32 $0x5000, v10;
	[tilespmem:v9+s28+$0x0] =	vst.idx.add.f32.msk $0xffff, v14;
	v14 =	vpop (erf)  }
0x92: {  	v9 =	vadd.s32 $0x5000, v11;
	[tilespmem:v10+s28+$0x0] =	vst.idx.add.f32.msk $0xffff, v14;
	v17 =	vmul.f32 v14, v62;
	v14 =	vmul.f32 v14, v18;
	v18 =	vpop (erf)  }
0x93: {  	v10 =	vadd.s32 $0x2800, v3;
	[tilespmem:v11+s28+$0x0] =	vst.idx.add.f32.msk $0xffff, v18;
	v15 =	vmul.f32 v18, v12;
	v12 =	vmul.f32 v18, v63;
	v18 =	vpop (erf)  }
0x94: {  	s20 =	simm.s32 $0x0;
	s25 =	simm.s32 $0xC3D0;
	v11 =	vadd.s32 $0x5000, v3;
	[tilespmem:v13+s28+$0x0] =	vst.idx.add.f32.msk $0xffff, v18;
	v27 =	vmul.f32 v18, v19;
	v24 =	vmul.f32 v18, v16;
	v13 =	vpop (erf)  }
.LBB2_4:
0x95: {  	v22 =	vld [tilespmem:s25+$0x20];
	v20 =	vmul.f32 v13, v25;
	v18 =	vmul.f32 v13, v26;
	s18 =	sadd.s32 $0x50, s18  }
0x96: {  	s20 =	sadd.s32 $0x5, s20;
	v25 =	vld [tilespmem:s18+$0x20]  }
0x97: {  	p5 =	slt.u32 s20, $0x26C;
	v16 =	vld [tilespmem:s25+$0xFFFFFFE0]  }
0x98: {  	v21 =	vld [tilespmem:s25+$0xFFFFFFF0]  }
0x99: {  	v19 =	vld [tilespmem:s25+$0x0]  }
0x9a: {  	v23 =	vld [tilespmem:s25+$0x10];
	v26 =	vadd.s32 $0x2710, v22  }
0x9b: {  	v28 =	vld [tilespmem:s18+$0xFFFFFFF0]  }
0x9c: {  	v29 =	vadd.s32 $0x2710, v16;
	v30 =	vadd.s32 $0x2800, v16;
	v31 =	vadd.s32 $0x5000, v16;
	v32 =	vld [tilespmem:s18+$0x0]  }
0x9d: {  	v33 =	vadd.s32 $0x2710, v21;
	v34 =	vadd.s32 $0x2800, v21;
	v35 =	vadd.s32 $0x5000, v21;
	v36 =	vld [tilespmem:s18+$0x10]  }
0x9e: {  	v37 =	vadd.s32 $0x2710, v19;
	v38 =	vadd.s32 $0x2800, v19;
	v39 =	vadd.s32 $0x5000, v19;
	v40 =	vld.idx.msk [tilespmem:v25+s5+$0x0], $0xffff  }
0x9f: {  	v41 =	vadd.s32 $0x2710, v23;
	v42 =	vadd.s32 $0x2800, v23;
	v43 =	vadd.s32 $0x5000, v23;
	v26 =	vld.idx.msk [tilespmem:v26+s5+$0x0], $0xffff  }
0xa0: {  	v44 =	vld [tilespmem:s18+$0xFFFFFFE0];
	v45 =	vadd.s32 $0x4E20, v28;
	v46 =	vadd.s32 $0x7530, v28  }
0xa1: {  	v29 =	vld.idx.msk [tilespmem:v29+s5+$0x0], $0xffff;
	v47 =	vadd.s32 $0x4E20, v32;
	v48 =	vadd.s32 $0x7530, v32  }
0xa2: {  	v33 =	vld.idx.msk [tilespmem:v33+s5+$0x0], $0xffff;
	v49 =	vadd.s32 $0x4E20, v36;
	v50 =	vadd.s32 $0x7530, v36  }
0xa3: {  	v37 =	vld.idx.msk [tilespmem:v37+s5+$0x0], $0xffff  }
0xa4: {  	v41 =	vld.idx.msk [tilespmem:v41+s5+$0x0], $0xffff  }
0xa5: {  	v26 =	vadd.f32 v26, v40;
	v51 =	vadd.s32 $0x4E20, v44;
	v52 =	vadd.s32 $0x7530, v44;
	v28 =	vld.idx.msk [tilespmem:v28+s5+$0x0], $0xffff  }
0xa6: {  	v32 =	vld.idx.msk [tilespmem:v32+s5+$0x0], $0xffff  }
0xa7: {  	v40 =	vmul.f32 $2.000000030e-01, v26;
	v36 =	vld.idx.msk [tilespmem:v36+s5+$0x0], $0xffff  }
0xa8: {  	v44 =	vld.idx.msk [tilespmem:v44+s5+$0x0], $0xffff  }
0xa9: {  	v26 =	vmax.f32 v26, v40;
	v45 =	vld.idx.msk [tilespmem:v45+s5+$0x0], $0xffff  }
0xaa: {  	v26 =	vsub.f32 v26, v2;
	v40 =	vld.idx.msk [tilespmem:v51+s5+$0x0], $0xffff  }
0xab: {  	v28 =	vadd.f32 v33, v28;
	v51 =	vld.idx.msk [tilespmem:v52+s5+$0x0], $0xffff  }
0xac: {  	v32 =	vadd.f32 v37, v32;
	v26 =	vmul.f32 $1.442695020e+00, v26;
	v33 =	vld.idx.msk [tilespmem:v46+s5+$0x0], $0xffff  }
0xad: {  	v37 =	vmul.f32 $2.000000030e-01, v28;
	v36 =	vadd.f32 v41, v36;
	v41 =	vadd.s32 $0x4E20, v25;
	v46 =	vld.idx.msk [tilespmem:v47+s5+$0x0], $0xffff  }
0xae: {  	v29 =	vadd.f32 v29, v44;
	v47 =	vadd.s32 $0x7530, v25;
	v44 =	vld.idx.msk [tilespmem:v48+s5+$0x0], $0xffff;
	(erf) = vpow2.f32 v26  }
0xaf: {  	v26 =	vmax.f32 v28, v37;
	v28 =	vmul.f32 $2.000000030e-01, v32;
	v37 =	vmul.f32 $2.000000030e-01, v36;
	v25 =	vld.idx.msk [tilespmem:v49+s5+$0x0], $0xffff  }
0xb0: {  	v48 =	vmul.f32 $2.000000030e-01, v29;
	v49 =	vsub.f32 v26, v2;
	v26 =	vld.idx.msk [tilespmem:v50+s5+$0x0], $0xffff  }
0xb1: {  	v28 =	vmax.f32 v32, v28;
	v32 =	vmax.f32 v36, v37;
	[tilespmem:v4+s28+$0x0] =	vst.idx.add.f32.msk $0xffff, v27;
	v4 =	vmov v30  }
0xb2: {  	v27 =	vmax.f32 v29, v48;
	v28 =	vsub.f32 v28, v2;
	v29 =	vsub.f32 v32, v2;
	v30 =	vld.idx.msk [tilespmem:v41+s5+$0x0], $0xffff  }
0xb3: {  	v32 =	vmul.f32 $1.442695020e+00, v49;
	v27 =	vsub.f32 v27, v2;
	v36 =	vld.idx.msk [tilespmem:v47+s5+$0x0], $0xffff  }
0xb4: {  	v28 =	vmul.f32 $1.442695020e+00, v28;
	v29 =	vmul.f32 $1.442695020e+00, v29;
	[tilespmem:v5+s28+$0x0] =	vst.idx.add.f32.msk $0xffff, v24;
	v5 =	vmov v31  }
0xb5: {  	v24 =	vmul.f32 $1.442695020e+00, v27;
	v27 =	vadd.s32 $0x2800, v22;
	(erf) = vpow2.f32 v32;
	[tilespmem:v6+s28+$0x0] =	vst.idx.add.f32.msk $0xffff, v17;
	v6 =	vmovc v34  }
0xb6: {  	v17 =	vadd.s32 $0x5000, v22;
	(erf) = vpow2.f32 v28;
	[tilespmem:v7+s28+$0x0] =	vst.idx.add.f32.msk $0xffff, v14;
	v7 =	vmov v35  }
0xb7: {  	(erf) = vpow2.f32 v24;
	v14 =	vpop (erf);
	[tilespmem:v8+s28+$0x0] =	vst.idx.add.f32.msk $0xffff, v15;
	v8 =	vmov v38  }
0xb8: {  	v15 =	vmul.f32 v14, v30;
	(erf) = vpow2.f32 v29;
	[tilespmem:v9+s28+$0x0] =	vst.idx.add.f32.msk $0xffff, v12;
	v9 =	vmov v39  }
0xb9: {  	v12 =	vmul.f32 v14, v36;
	[tilespmem:v22+s28+$0x0] =	vst.idx.add.f32.msk $0xffff, v14  }
0xba: {  	[tilespmem:v27+s28+$0x0] =	vst.idx.add.f32.msk $0xffff, v15  }
0xbb: {  	[tilespmem:v17+s28+$0x0] =	vst.idx.add.f32.msk $0xffff, v12  }
0xbc: {  	[tilespmem:v3+s28+$0x0] =	vst.idx.add.f32.msk $0xffff, v13;
	v3 =	vmov v23  }
.Ltmp1:
0xbd: {  	[tilespmem:v10+s28+$0x0] =	vst.idx.add.f32.msk $0xffff, v20;
	v10 =	vmov v42;
	(pc) =	sbr.rel @p5 .LBB2_4-.Ltmp1, $4  }
0xbe: {  	v12 =	vpop (erf);
	[tilespmem:v11+s28+$0x0] =	vst.idx.add.f32.msk $0xffff, v18;
	v11 =	vmov v43  }
0xbf: {  	[tilespmem:v21+s28+$0x0] =	vst.idx.add.f32.msk $0xffff, v12;
	v17 =	vmul.f32 v12, v45;
	v14 =	vmul.f32 v12, v33;
	v12 =	vpop (erf)  }
0xc0: {  	[tilespmem:v19+s28+$0x0] =	vst.idx.add.f32.msk $0xffff, v12;
	v15 =	vmul.f32 v12, v46;
	v12 =	vmul.f32 v12, v44;
	v13 =	vpop (erf)  }
0xc1: {  	s25 =	sadd.s32 $0x50, s25;
	[tilespmem:v16+s28+$0x0] =	vst.idx.add.f32.msk $0xffff, v13;
	v27 =	vmul.f32 v13, v40;
	v24 =	vmul.f32 v13, v51;
	v13 =	vpop (erf)  }
0xc2: {  	_ =	sdelay $0x3  }
0xc3: {  	[tilespmem:v6+s28+$0x0] =	vst.idx.add.f32.msk $0xffff, v17  }
0xc4: {  	[tilespmem:v8+s28+$0x0] =	vst.idx.add.f32.msk $0xffff, v15  }
0xc5: {  	[tilespmem:v3+s28+$0x0] =	vst.idx.add.f32.msk $0xffff, v13  }
0xc6: {  	[tilespmem:v4+s28+$0x0] =	vst.idx.add.f32.msk $0xffff, v27  }
0xc7: {  	[tilespmem:v7+s28+$0x0] =	vst.idx.add.f32.msk $0xffff, v14  }
0xc8: {  	v4 =	vmul.f32 v13, v25;
	[tilespmem:v9+s28+$0x0] =	vst.idx.add.f32.msk $0xffff, v12  }
0xc9: {  	[tilespmem:v5+s28+$0x0] =	vst.idx.add.f32.msk $0xffff, v24;
	v5 =	vmul.f32 v13, v26  }
0xca: {  	[tilespmem:v10+s28+$0x0] =	vst.idx.add.f32.msk $0xffff, v4  }
0xcb: {  	[tilespmem:v11+s28+$0x0] =	vst.idx.add.f32.msk $0xffff, v5  }
0xcc: {  	_ =	strace $0x90000049  }
0xcd: {  	s18 =	simm.s32 $0x0;
	_ =	strace $0x8000004A  }
0xce: {  	v3 =	vld.idx.msk [tilespmem:v0+s18+$0x0 ss:$0x1], $0xffff  }
0xcf: {  	v4 =	vld.idx.msk [tilespmem:v0+s18+$0x2710 ss:$0x1], $0xffff;
	_ =	sdelay $0x4  }
0xd0: {  	v3 =	vadd.f32 v4, v3;
	_ =	sdelay $0x1  }
0xd1: {  	v4 =	vmul.f32 $2.000000030e-01, v3;
	_ =	sdelay $0x1  }
0xd2: {  	v3 =	vmax.f32 v3, v4  }
0xd3: {  	v3 =	vsub.f32 v3, v2;
	_ =	sdelay $0x1  }
0xd4: {  	v3 =	vmul.f32 $1.442695020e+00, v3;
	_ =	sdelay $0x1  }
0xd5: {  	(erf) = vpow2.f32 v3;
	_ =	sdelay $0x8  }
0xd6: {  	s20 =	sadd.s32 $0x0, s17;
	v3 =	vpop (erf)  }
0xd7: {  	[tilespmem:s20+$0x0] =	vst.add.f32.msk $0xffff, v3  }
0xd8: {  	v4 =	vld.idx.msk [tilespmem:v0+s18+$0x4E20 ss:$0x1], $0xffff;
	_ =	sdelay $0x4  }
0xd9: {  	v4 =	vmul.f32 v3, v4;
	_ =	sdelay $0x1  }
0xda: {  	[tilespmem:s20+$0x2800] =	vst.add.f32.msk $0xffff, v4  }
0xdb: {  	p5 =	sne.s32 s16, $0x40;
	v4 =	vld.idx.msk [tilespmem:v0+s18+$0x7530 ss:$0x1], $0xffff  }
.Ltmp2:
0xdc: {  	_ = 	snop;
	(pc) =	sbr.rel @!p5 .LBB2_7-.Ltmp2, $2  }
0xdd: {  	_ =	sdelay $0x2  }
0xde: {  	s18 =	simm.s32 $0x40;
	v3 =	vmul.f32 v3, v4  }
.LBB2_6:
0xdf: {  	_ = 	snop  }
0xe0: {  	s25 =	sshra.s32 s18, $0x2;
	[tilespmem:s20+$0x5000] =	vst.add.f32.msk $0xffff, v3  }
0xe1: {  	s18 =	sadd.s32 $0x40, s18;
	v3 =	vld.idx.msk [tilespmem:v0+s25+$0x0 ss:$0x1], $0xffff  }
0xe2: {  	p5 =	sne.s32 s16, s18;
	v4 =	vld.idx.msk [tilespmem:v0+s25+$0x2710 ss:$0x1], $0xffff;
	_ =	sdelay $0x5  }
0xe3: {  	v3 =	vadd.f32 v4, v3;
	_ =	sdelay $0x1  }
0xe4: {  	v4 =	vmul.f32 $2.000000030e-01, v3;
	_ =	sdelay $0x1  }
0xe5: {  	v3 =	vmax.f32 v3, v4  }
0xe6: {  	v3 =	vsub.f32 v3, v2;
	_ =	sdelay $0x1  }
0xe7: {  	v3 =	vmul.f32 $1.442695020e+00, v3;
	_ =	sdelay $0x1  }
0xe8: {  	(erf) = vpow2.f32 v3;
	_ =	sdelay $0x8  }
0xe9: {  	s20 =	sadd.s32 s25, s17;
	v3 =	vpop (erf)  }
0xea: {  	[tilespmem:s20+$0x0] =	vst.add.f32.msk $0xffff, v3  }
0xeb: {  	v4 =	vld.idx.msk [tilespmem:v0+s25+$0x4E20 ss:$0x1], $0xffff;
	_ =	sdelay $0x5  }
0xec: {  	v4 =	vmul.f32 v3, v4;
	_ =	sdelay $0x1  }
0xed: {  	[tilespmem:s20+$0x2800] =	vst.add.f32.msk $0xffff, v4  }
0xee: {  	v4 =	vld.idx.msk [tilespmem:v0+s25+$0x7530 ss:$0x1], $0xffff;
	_ =	sdelay $0x1  }
.Ltmp3:
0xef: {  	(pc) =	sbr.rel @p5 .LBB2_6-.Ltmp3, $2  }
0xf0: {  	_ =	sdelay $0x2  }
0xf1: {  	v3 =	vmul.f32 v3, v4  }
.LBB2_7:
0xf2: {  	_ = 	snop  }
0xf3: {  	[tilespmem:s20+$0x5000] =	vst.add.f32.msk $0xffff, v3  }
0xf4: {  	_ =	strace $0x9000004A  }
0xf5: {  	_ =	strace $0x8000004B  }
0xf6: {  	[bflag:$0x0] =	sbarrier.arrive $0xFFFF  }
0xf7: {  	[spmem:s3] =	stream.indirect.scatter.add.f32 [tilespmem:s28], [sflag:$0x2], $0x2800, s19, s29, $0x2000b8;
	[tilespmem:$0x173C0] =	vst v63  }
0xf8: {  	_ =	swait.ge [sflag:s30], $0x7800  }
0xf9: {  	[sflag:s30] =	ssyncset.done $0x0  }
0xfa: {  	[sflag:s30] =	ssyncadd.s32 $0xFFFF8800  }
0xfb: {  	[bflag:$0x0] =	sbarrier.arrive $0xFFFF  }
0xfc: {  	s18 =	sshll.u32 s0, $0x6;
	s1 =	sadd.s32 $0x1, s1;
	_ =	strace $0x9000004B  }
0xfd: {  	s18 =	sor.u32 $0x1C02, s18;
	p5 =	sne.s32 s1, s15;
	_ =	strace $0x8000004C  }
0xfe: {  	[hbm:s14@s2], [sflag:s18] =	dma.strided [spmem:s24@s2], $0xF0, s31, $0x10   }
.Ltmp4:
0xff: {  	_ = 	snop;
	(pc) =	sbr.rel @p5 .LBB2_1-.Ltmp4, $4  }
0x100: {  	_ =	swait.ge [sflag:s30], $0xF0  }
0x101: {  	[sflag:s30] =	ssyncset.done $0x0  }
0x102: {  	[sflag:s30] =	ssyncadd.s32 $0xFFFFFF10  }
0x103: {  	_ =	strace $0x9000004C  }
0x104: {  	_ =	sfence.sel $0x180000  }
0x105: {  	[bflag:$0x0] =	sbarrier.arrive $0xFFFF  }
0x106: {  	_ =	strace $0x90000047  }
0x107: {  	[bflag:$0x2] =	sbarrier.arrive $0xFFFF  }
0x108: {  	p0 =	sne.s32 s0, $0x0;
	s0 =	rddreg [dreg:$0x4]  }
0x109: {  	s0 =	sadd.s32 @!p0 $0x100000, s0  }
0x10a: {  	[sflag:s0] =	ssyncadd.tile.s32 @!p0 $0x1;
	_ =	shalt  }
.Lfunc_end2:
_tile_overlayer_lowered:
.L_overlay_start_2:
0x10b: {  	(tag) =	ssettag $0x2  }
0x10c: {  	s0 =	rddreg [dreg:$0x0];
	s2 =	stileid.u32  }
0x10d: {  	s1 =	rddreg [dreg:$0x1];
	p0 =	sne.s32 s2, $0x0  }
0x10e: {  	s3 =	rddreg [dreg:$0x2];
	[bflag:$0x3] =	sbarrier.arrive $0xFFFF;
	s2 =	simm.s32 @!p0 $0x1C02  }
0x10f: {  	[timem:s3], [sflag:s2] =	dma.local @!p0 [hbm:s0], s1  }
0x110: {  	s0 =	simm.s32 @!p0 $0x2  }
0x111: {  	_ =	swait.ge @!p0 [sflag:s0], s1  }
0x112: {  	s1 =	ssub.s32 @!p0 $0x0, s1;
	[sflag:s0] =	ssyncset.done @!p0 $0x0  }
0x113: {  	[sflag:s0] =	ssyncadd.s32 @!p0 s1  }
0x114: {  	[bflag:$0x3] =	sbarrier.arrive $0xFFFF  }
0x115: {  	_ =	shalt  }

</sc_bundles>
